<compile_context>
chip_gen: v7x
topology: tpu7x:2x2x1
jax: 0.10.2.dev20260603
libtpu: 0.0.44.dev20260713+nightly
codegen_flags: <defaults>
</compile_context>

<pallas_src>
import functools

import jax
import jax.numpy as jnp
from jax import lax
from jax.experimental import pallas as pl
from jax.experimental.pallas import tpu as pltpu
from jax.experimental.pallas import tpu_sc as plsc

_N = 320000
_D = 128
_NC = 2
_NS = 16
_NW = _NC * _NS
_ROWS = _N // _NW
_CH = 496
_NFULL = _ROWS // _CH
_REM = _ROWS - _NFULL * _CH
_NCH = _NFULL + (1 if _REM else 0)

_mesh = plsc.VectorSubcoreMesh(core_axis_name="c", subcore_axis_name="s")


def _chunk_rows(j):
    return _CH if j < _NFULL else _REM


@functools.partial(
    pl.kernel,
    mesh=_mesh,
    out_type=jax.ShapeDtypeStruct((_N, _D), jnp.float32),
    scratch_types=[
        pltpu.VMEM((_CH, _D), jnp.float32),
        pltpu.VMEM((_CH, _D), jnp.float32),
        pltpu.SemaphoreType.DMA,
        pltpu.SemaphoreType.DMA,
        pltpu.SemaphoreType.DMA,
        pltpu.SemaphoreType.DMA,
    ],
)
def _sc_copy(src_hbm, out_hbm, buf0, buf1, rs0, rs1, ws0, ws1):
    bufs = (buf0, buf1)
    rsems = (rs0, rs1)
    wsems = (ws0, ws1)
    wid = lax.axis_index("s") * _NC + lax.axis_index("c")
    base = wid * _ROWS

    def rd(j):
        off = base + j * _CH
        r = _chunk_rows(j)
        return pltpu.async_copy(src_hbm.at[pl.ds(off, r)],
                                bufs[j % 2].at[pl.ds(0, r)], rsems[j % 2])

    def wr(j):
        off = base + j * _CH
        r = _chunk_rows(j)
        return pltpu.async_copy(bufs[j % 2].at[pl.ds(0, r)],
                                out_hbm.at[pl.ds(off, r)], wsems[j % 2])

    rhs = [rd(0), None]
    whs = [None, None]
    for j in range(_NCH):
        b = j % 2
        nb = (j + 1) % 2
        if j + 1 < _NCH:
            if whs[nb] is not None:
                whs[nb].wait()
            rhs[nb] = rd(j + 1)
        rhs[b].wait()
        whs[b] = wr(j)
    for h in whs:
        if h is not None:
            h.wait()


def kernel(ref_bxyz, ref_feat, group_ids):
    del ref_bxyz, group_ids
    return _sc_copy(ref_feat)

# --- scband reference (transcript-rebuilt; emitter-appended) ---
"""Pipeline reference for scband-cluster-fusion-67997922230621 (READ-ONLY COPY).

The authoritative reference and input builder live on the scoring server;
editing this copy changes nothing except your own understanding.
"""

import jax, jax.numpy as jnp
import numpy as np

N = 320000
D = 128
G = 10000


def setup_inputs(seed: int = 0) -> dict:
    key = jax.random.key(seed)
    k1, k2, k3 = jax.random.split(key, 3)
    ref_bxyz = jax.random.normal(k1, (N, 4), dtype=jnp.float32)
    ref_feat = jax.random.normal(k2, (N, D), dtype=jnp.float32)
    group_ids = jnp.sort(jax.random.randint(k3, (N,), 0, G, dtype=jnp.int32))
    return {"ref_bxyz": ref_bxyz, "ref_feat": ref_feat, "group_ids": group_ids}


def _pca_by_group(xyz, group_ids, num_groups):
    # per-group PCA: mean-center, per-group 3x3 covariance, eigendecomposition
    ones = jnp.ones((xyz.shape[0],), dtype=xyz.dtype)
    counts = jax.ops.segment_sum(ones, group_ids, num_segments=num_groups)
    safe = jnp.maximum(counts, 1.0)
    mean = jax.ops.segment_sum(xyz, group_ids, num_segments=num_groups) / safe[:, None]
    centered = xyz - mean[group_ids]
    outer = (centered[:, :, None] * centered[:, None, :]).reshape(-1, 9)
    cov = jax.ops.segment_sum(outer, group_ids, num_segments=num_groups).reshape(-1, 3, 3) / safe[:, None, None]
    eigvals, eigvecs = jnp.linalg.eigh(cov)
    return eigvals, eigvecs


def reference(ref_bxyz, ref_feat, group_ids):
    # num_groups = group_ids.max().item() + 1
    num_groups = G
    # cluster_center = scatter(ref_bxyz, group_ids, dim=0, dim_size=num_groups, reduce='mean')
    ones = jnp.ones((ref_bxyz.shape[0],), dtype=ref_bxyz.dtype)
    counts = jax.ops.segment_sum(ones, group_ids, num_segments=num_groups)
    safe = jnp.maximum(counts, 1.0)
    cluster_center = jax.ops.segment_sum(ref_bxyz, group_ids, num_segments=num_groups) / safe[:, None]
    # eigvals, eigvecs = pca_by_group(ref_bxyz[:, 1:4], group_ids)
    eigvals, eigvecs = _pca_by_group(ref_bxyz[:, 1:4], group_ids, num_groups)
    # module returns ref_feat (cluster_center/eigvals/eigvecs computed as side stats)
    return ref_feat

if __name__ == "__main__":
    import jax
    _d = setup_inputs()
    print(jax.jit(kernel)(*tuple(_d.values())))

</pallas_src>

<mosaic_0001>
#map = affine_map<(d0, d1) -> (0, 0)>
module attributes {stable_mosaic.version = 14 : i64} {
  func.func @_sc_copy(%arg0: i32, %arg1: i32, %arg2: memref<320000x128xf32, #tpu.memory_space<hbm>>, %arg3: memref<320000x128xf32, #tpu.memory_space<hbm>>, %arg4: memref<496x128xf32, #tpu.memory_space<vmem>>, %arg5: memref<496x128xf32, #tpu.memory_space<vmem>>, %arg6: memref<!tpu.dma_semaphore, #tpu.memory_space<semaphore_mem>>, %arg7: memref<!tpu.dma_semaphore, #tpu.memory_space<semaphore_mem>>, %arg8: memref<!tpu.dma_semaphore, #tpu.memory_space<semaphore_mem>>, %arg9: memref<!tpu.dma_semaphore, #tpu.memory_space<semaphore_mem>>) attributes {dimension_semantics = [#tpu.dimension_semantics<core_parallel>, #tpu.dimension_semantics<subcore_parallel>], iteration_bounds = array<i64: 2, 16>, scalar_prefetch = 0 : i64, scratch_operands = 6 : i64, tpu.core_type = #tpu.core_type<sc_vector_subcore>, window_params = [{transform_indices = #map}, {transform_indices = #map}]} {
    %mul3A = arith.constant 2 : i32
    %mul3A_0 = arith.muli %arg1, %mul3A : i32
    %add3A = arith.addi %mul3A_0, %arg0 : i32
    %mul3A_1 = arith.constant 10000 : i32
    %mul3A_2 = arith.muli %add3A, %mul3A_1 : i32
    %add3A_3 = arith.constant 0 : i32
    %add3A_4 = arith.addi %mul3A_2, %add3A_3 : i32
    %dma_start3A = arith.constant 0 : i32
    %dma_start3A_5 = arith.constant 0 : i32
    %dma_start3A_6 = tpu.memref_slice %arg4[%dma_start3A, %dma_start3A_5] : memref<496x128xf32, #tpu.memory_space<vmem>> -> memref<496x128xf32, #tpu.memory_space<vmem>>
    %dma_start3A_7 = arith.constant 0 : i32
    %dma_start3A_8 = tpu.memref_slice %arg2[%add3A_4, %dma_start3A_7] : memref<320000x128xf32, #tpu.memory_space<hbm>> -> memref<496x128xf32, #tpu.memory_space<hbm>>
    %dma_start3A_9 = arith.constant 0 : i32
    %dma_start3A_10 = arith.constant 0 : i32
    %dma_start3A_11 = tpu.memref_slice %arg4[%dma_start3A_9, %dma_start3A_10] : memref<496x128xf32, #tpu.memory_space<vmem>> -> memref<496x128xf32, #tpu.memory_space<vmem>>
    %dma_start3A_12 = arith.constant 0 : i32
    %dma_start3A_13 = tpu.memref_slice %arg2[%add3A_4, %dma_start3A_12] : memref<320000x128xf32, #tpu.memory_space<hbm>> -> memref<496x128xf32, #tpu.memory_space<hbm>>
    tpu.enqueue_dma source(%dma_start3A_13 : memref<496x128xf32, #tpu.memory_space<hbm>>) target(%dma_start3A_11 : memref<496x128xf32, #tpu.memory_space<vmem>>) target_semaphore(%arg6 : memref<!tpu.dma_semaphore, #tpu.memory_space<semaphore_mem>>)
    %add3A_14 = arith.constant 496 : i32
    %add3A_15 = arith.addi %mul3A_2, %add3A_14 : i32
    %dma_start3A_16 = arith.constant 0 : i32
    %dma_start3A_17 = arith.constant 0 : i32
    %dma_start3A_18 = tpu.memref_slice %arg5[%dma_start3A_16, %dma_start3A_17] : memref<496x128xf32, #tpu.memory_space<vmem>> -> memref<496x128xf32, #tpu.memory_space<vmem>>
    %dma_start3A_19 = arith.constant 0 : i32
    %dma_start3A_20 = tpu.memref_slice %arg2[%add3A_15, %dma_start3A_19] : memref<320000x128xf32, #tpu.memory_space<hbm>> -> memref<496x128xf32, #tpu.memory_space<hbm>>
    %dma_start3A_21 = arith.constant 0 : i32
    %dma_start3A_22 = arith.constant 0 : i32
    %dma_start3A_23 = tpu.memref_slice %arg5[%dma_start3A_21, %dma_start3A_22] : memref<496x128xf32, #tpu.memory_space<vmem>> -> memref<496x128xf32, #tpu.memory_space<vmem>>
    %dma_start3A_24 = arith.constant 0 : i32
    %dma_start3A_25 = tpu.memref_slice %arg2[%add3A_15, %dma_start3A_24] : memref<320000x128xf32, #tpu.memory_space<hbm>> -> memref<496x128xf32, #tpu.memory_space<hbm>>
    tpu.enqueue_dma source(%dma_start3A_25 : memref<496x128xf32, #tpu.memory_space<hbm>>) target(%dma_start3A_23 : memref<496x128xf32, #tpu.memory_space<vmem>>) target_semaphore(%arg7 : memref<!tpu.dma_semaphore, #tpu.memory_space<semaphore_mem>>)
    %dma_wait3A = arith.constant 0 : i32
    %dma_wait3A_26 = arith.constant 0 : i32
    %dma_wait3A_27 = tpu.memref_slice %arg4[%dma_wait3A, %dma_wait3A_26] : memref<496x128xf32, #tpu.memory_space<vmem>> -> memref<496x128xf32, #tpu.memory_space<vmem>>
    %dma_wait3A_28 = arith.constant 0 : i32
    %dma_wait3A_29 = tpu.memref_slice %arg2[%add3A_4, %dma_wait3A_28] : memref<320000x128xf32, #tpu.memory_space<hbm>> -> memref<496x128xf32, #tpu.memory_space<hbm>>
    %dma_wait3A_30 = arith.constant 0 : i32
    %dma_wait3A_31 = arith.constant 0 : i32
    %dma_wait3A_32 = tpu.memref_slice %arg4[%dma_wait3A_30, %dma_wait3A_31] : memref<496x128xf32, #tpu.memory_space<vmem>> -> memref<496x128xf32, #tpu.memory_space<vmem>>
    %dma_wait3A_33 = arith.constant 0 : i32
    %dma_wait3A_34 = tpu.memref_slice %arg2[%add3A_4, %dma_wait3A_33] : memref<320000x128xf32, #tpu.memory_space<hbm>> -> memref<496x128xf32, #tpu.memory_space<hbm>>
    tpu.wait_dma2 semaphore(%arg6 : memref<!tpu.dma_semaphore, #tpu.memory_space<semaphore_mem>>) src(%dma_wait3A_34 : memref<496x128xf32, #tpu.memory_space<hbm>>) dst(%dma_wait3A_32 : memref<496x128xf32, #tpu.memory_space<vmem>>)
    %add3A_35 = arith.constant 0 : i32
    %add3A_36 = arith.addi %mul3A_2, %add3A_35 : i32
    %dma_start3A_37 = arith.constant 0 : i32
    %dma_start3A_38 = arith.constant 0 : i32
    %dma_start3A_39 = tpu.memref_slice %arg4[%dma_start3A_37, %dma_start3A_38] : memref<496x128xf32, #tpu.memory_space<vmem>> -> memref<496x128xf32, #tpu.memory_space<vmem>>
    %dma_start3A_40 = arith.constant 0 : i32
    %dma_start3A_41 = tpu.memref_slice %arg3[%add3A_36, %dma_start3A_40] : memref<320000x128xf32, #tpu.memory_space<hbm>> -> memref<496x128xf32, #tpu.memory_space<hbm>>
    %dma_start3A_42 = arith.constant 0 : i32
    %dma_start3A_43 = tpu.memref_slice %arg3[%add3A_36, %dma_start3A_42] : memref<320000x128xf32, #tpu.memory_space<hbm>> -> memref<496x128xf32, #tpu.memory_space<hbm>>
    %dma_start3A_44 = arith.constant 0 : i32
    %dma_start3A_45 = arith.constant 0 : i32
    %dma_start3A_46 = tpu.memref_slice %arg4[%dma_start3A_44, %dma_start3A_45] : memref<496x128xf32, #tpu.memory_space<vmem>> -> memref<496x128xf32, #tpu.memory_space<vmem>>
    tpu.enqueue_dma source(%dma_start3A_46 : memref<496x128xf32, #tpu.memory_space<vmem>>) target(%dma_start3A_43 : memref<496x128xf32, #tpu.memory_space<hbm>>) target_semaphore(%arg8 : memref<!tpu.dma_semaphore, #tpu.memory_space<semaphore_mem>>)
    %dma_wait3A_47 = arith.constant 0 : i32
    %dma_wait3A_48 = arith.constant 0 : i32
    %dma_wait3A_49 = tpu.memref_slice %arg4[%dma_wait3A_47, %dma_wait3A_48] : memref<496x128xf32, #tpu.memory_space<vmem>> -> memref<496x128xf32, #tpu.memory_space<vmem>>
    %dma_wait3A_50 = arith.constant 0 : i32
    %dma_wait3A_51 = tpu.memref_slice %arg3[%add3A_36, %dma_wait3A_50] : memref<320000x128xf32, #tpu.memory_space<hbm>> -> memref<496x128xf32, #tpu.memory_space<hbm>>
    %dma_wait3A_52 = arith.constant 0 : i32
    %dma_wait3A_53 = tpu.memref_slice %arg3[%add3A_36, %dma_wait3A_52] : memref<320000x128xf32, #tpu.memory_space<hbm>> -> memref<496x128xf32, #tpu.memory_space<hbm>>
    %dma_wait3A_54 = arith.constant 0 : i32
    %dma_wait3A_55 = arith.constant 0 : i32
    %dma_wait3A_56 = tpu.memref_slice %arg4[%dma_wait3A_54, %dma_wait3A_55] : memref<496x128xf32, #tpu.memory_space<vmem>> -> memref<496x128xf32, #tpu.memory_space<vmem>>
    tpu.wait_dma2 semaphore(%arg8 : memref<!tpu.dma_semaphore, #tpu.memory_space<semaphore_mem>>) src(%dma_wait3A_56 : memref<496x128xf32, #tpu.memory_space<vmem>>) dst(%dma_wait3A_53 : memref<496x128xf32, #tpu.memory_space<hbm>>)
    %add3A_57 = arith.constant 992 : i32
    %add3A_58 = arith.addi %mul3A_2, %add3A_57 : i32
    %dma_start3A_59 = arith.constant 0 : i32
    %dma_start3A_60 = arith.constant 0 : i32
    %dma_start3A_61 = tpu.memref_slice %arg4[%dma_start3A_59, %dma_start3A_60] : memref<496x128xf32, #tpu.memory_space<vmem>> -> memref<496x128xf32, #tpu.memory_space<vmem>>
    %dma_start3A_62 = arith.constant 0 : i32
    %dma_start3A_63 = tpu.memref_slice %arg2[%add3A_58, %dma_start3A_62] : memref<320000x128xf32, #tpu.memory_space<hbm>> -> memref<496x128xf32, #tpu.memory_space<hbm>>
    %dma_start3A_64 = arith.constant 0 : i32
    %dma_start3A_65 = arith.constant 0 : i32
    %dma_start3A_66 = tpu.memref_slice %arg4[%dma_start3A_64, %dma_start3A_65] : memref<496x128xf32, #tpu.memory_space<vmem>> -> memref<496x128xf32, #tpu.memory_space<vmem>>
    %dma_start3A_67 = arith.constant 0 : i32
    %dma_start3A_68 = tpu.memref_slice %arg2[%add3A_58, %dma_start3A_67] : memref<320000x128xf32, #tpu.memory_space<hbm>> -> memref<496x128xf32, #tpu.memory_space<hbm>>
    tpu.enqueue_dma source(%dma_start3A_68 : memref<496x128xf32, #tpu.memory_space<hbm>>) target(%dma_start3A_66 : memref<496x128xf32, #tpu.memory_space<vmem>>) target_semaphore(%arg6 : memref<!tpu.dma_semaphore, #tpu.memory_space<semaphore_mem>>)
    %dma_wait3A_69 = arith.constant 0 : i32
    %dma_wait3A_70 = arith.constant 0 : i32
    %dma_wait3A_71 = tpu.memref_slice %arg5[%dma_wait3A_69, %dma_wait3A_70] : memref<496x128xf32, #tpu.memory_space<vmem>> -> memref<496x128xf32, #tpu.memory_space<vmem>>
    %dma_wait3A_72 = arith.constant 0 : i32
    %dma_wait3A_73 = tpu.memref_slice %arg2[%add3A_15, %dma_wait3A_72] : memref<320000x128xf32, #tpu.memory_space<hbm>> -> memref<496x128xf32, #tpu.memory_space<hbm>>
    %dma_wait3A_74 = arith.constant 0 : i32
    %dma_wait3A_75 = arith.constant 0 : i32
    %dma_wait3A_76 = tpu.memref_slice %arg5[%dma_wait3A_74, %dma_wait3A_75] : memref<496x128xf32, #tpu.memory_space<vmem>> -> memref<496x128xf32, #tpu.memory_space<vmem>>
    %dma_wait3A_77 = arith.constant 0 : i32
    %dma_wait3A_78 = tpu.memref_slice %arg2[%add3A_15, %dma_wait3A_77] : memref<320000x128xf32, #tpu.memory_space<hbm>> -> memref<496x128xf32, #tpu.memory_space<hbm>>
    tpu.wait_dma2 semaphore(%arg7 : memref<!tpu.dma_semaphore, #tpu.memory_space<semaphore_mem>>) src(%dma_wait3A_78 : memref<496x128xf32, #tpu.memory_space<hbm>>) dst(%dma_wait3A_76 : memref<496x128xf32, #tpu.memory_space<vmem>>)
    %add3A_79 = arith.constant 496 : i32
    %add3A_80 = arith.addi %mul3A_2, %add3A_79 : i32
    %dma_start3A_81 = arith.constant 0 : i32
    %dma_start3A_82 = arith.constant 0 : i32
    %dma_start3A_83 = tpu.memref_slice %arg5[%dma_start3A_81, %dma_start3A_82] : memref<496x128xf32, #tpu.memory_space<vmem>> -> memref<496x128xf32, #tpu.memory_space<vmem>>
    %dma_start3A_84 = arith.constant 0 : i32
    %dma_start3A_85 = tpu.memref_slice %arg3[%add3A_80, %dma_start3A_84] : memref<320000x128xf32, #tpu.memory_space<hbm>> -> memref<496x128xf32, #tpu.memory_space<hbm>>
    %dma_start3A_86 = arith.constant 0 : i32
    %dma_start3A_87 = tpu.memref_slice %arg3[%add3A_80, %dma_start3A_86] : memref<320000x128xf32, #tpu.memory_space<hbm>> -> memref<496x128xf32, #tpu.memory_space<hbm>>
    %dma_start3A_88 = arith.constant 0 : i32
    %dma_start3A_89 = arith.constant 0 : i32
    %dma_start3A_90 = tpu.memref_slice %arg5[%dma_start3A_88, %dma_start3A_89] : memref<496x128xf32, #tpu.memory_space<vmem>> -> memref<496x128xf32, #tpu.memory_space<vmem>>
    tpu.enqueue_dma source(%dma_start3A_90 : memref<496x128xf32, #tpu.memory_space<vmem>>) target(%dma_start3A_87 : memref<496x128xf32, #tpu.memory_space<hbm>>) target_semaphore(%arg9 : memref<!tpu.dma_semaphore, #tpu.memory_space<semaphore_mem>>)
    %dma_wait3A_91 = arith.constant 0 : i32
    %dma_wait3A_92 = arith.constant 0 : i32
    %dma_wait3A_93 = tpu.memref_slice %arg5[%dma_wait3A_91, %dma_wait3A_92] : memref<496x128xf32, #tpu.memory_space<vmem>> -> memref<496x128xf32, #tpu.memory_space<vmem>>
    %dma_wait3A_94 = arith.constant 0 : i32
    %dma_wait3A_95 = tpu.memref_slice %arg3[%add3A_80, %dma_wait3A_94] : memref<320000x128xf32, #tpu.memory_space<hbm>> -> memref<496x128xf32, #tpu.memory_space<hbm>>
    %dma_wait3A_96 = arith.constant 0 : i32
    %dma_wait3A_97 = tpu.memref_slice %arg3[%add3A_80, %dma_wait3A_96] : memref<320000x128xf32, #tpu.memory_space<hbm>> -> memref<496x128xf32, #tpu.memory_space<hbm>>
    %dma_wait3A_98 = arith.constant 0 : i32
    %dma_wait3A_99 = arith.constant 0 : i32
    %dma_wait3A_100 = tpu.memref_slice %arg5[%dma_wait3A_98, %dma_wait3A_99] : memref<496x128xf32, #tpu.memory_space<vmem>> -> memref<496x128xf32, #tpu.memory_space<vmem>>
    tpu.wait_dma2 semaphore(%arg9 : memref<!tpu.dma_semaphore, #tpu.memory_space<semaphore_mem>>) src(%dma_wait3A_100 : memref<496x128xf32, #tpu.memory_space<vmem>>) dst(%dma_wait3A_97 : memref<496x128xf32, #tpu.memory_space<hbm>>)
    %add3A_101 = arith.constant 1488 : i32
    %add3A_102 = arith.addi %mul3A_2, %add3A_101 : i32
    %dma_start3A_103 = arith.constant 0 : i32
    %dma_start3A_104 = arith.constant 0 : i32
    %dma_start3A_105 = tpu.memref_slice %arg5[%dma_start3A_103, %dma_start3A_104] : memref<496x128xf32, #tpu.memory_space<vmem>> -> memref<496x128xf32, #tpu.memory_space<vmem>>
    %dma_start3A_106 = arith.constant 0 : i32
    %dma_start3A_107 = tpu.memref_slice %arg2[%add3A_102, %dma_start3A_106] : memref<320000x128xf32, #tpu.memory_space<hbm>> -> memref<496x128xf32, #tpu.memory_space<hbm>>
    %dma_start3A_108 = arith.constant 0 : i32
    %dma_start3A_109 = arith.constant 0 : i32
    %dma_start3A_110 = tpu.memref_slice %arg5[%dma_start3A_108, %dma_start3A_109] : memref<496x128xf32, #tpu.memory_space<vmem>> -> memref<496x128xf32, #tpu.memory_space<vmem>>
    %dma_start3A_111 = arith.constant 0 : i32
    %dma_start3A_112 = tpu.memref_slice %arg2[%add3A_102, %dma_start3A_111] : memref<320000x128xf32, #tpu.memory_space<hbm>> -> memref<496x128xf32, #tpu.memory_space<hbm>>
    tpu.enqueue_dma source(%dma_start3A_112 : memref<496x128xf32, #tpu.memory_space<hbm>>) target(%dma_start3A_110 : memref<496x128xf32, #tpu.memory_space<vmem>>) target_semaphore(%arg7 : memref<!tpu.dma_semaphore, #tpu.memory_space<semaphore_mem>>)
    %dma_wait3A_113 = arith.constant 0 : i32
    %dma_wait3A_114 = arith.constant 0 : i32
    %dma_wait3A_115 = tpu.memref_slice %arg4[%dma_wait3A_113, %dma_wait3A_114] : memref<496x128xf32, #tpu.memory_space<vmem>> -> memref<496x128xf32, #tpu.memory_space<vmem>>
    %dma_wait3A_116 = arith.constant 0 : i32
    %dma_wait3A_117 = tpu.memref_slice %arg2[%add3A_58, %dma_wait3A_116] : memref<320000x128xf32, #tpu.memory_space<hbm>> -> memref<496x128xf32, #tpu.memory_space<hbm>>
    %dma_wait3A_118 = arith.constant 0 : i32
    %dma_wait3A_119 = arith.constant 0 : i32
    %dma_wait3A_120 = tpu.memref_slice %arg4[%dma_wait3A_118, %dma_wait3A_119] : memref<496x128xf32, #tpu.memory_space<vmem>> -> memref<496x128xf32, #tpu.memory_space<vmem>>
    %dma_wait3A_121 = arith.constant 0 : i32
    %dma_wait3A_122 = tpu.memref_slice %arg2[%add3A_58, %dma_wait3A_121] : memref<320000x128xf32, #tpu.memory_space<hbm>> -> memref<496x128xf32, #tpu.memory_space<hbm>>
    tpu.wait_dma2 semaphore(%arg6 : memref<!tpu.dma_semaphore, #tpu.memory_space<semaphore_mem>>) src(%dma_wait3A_122 : memref<496x128xf32, #tpu.memory_space<hbm>>) dst(%dma_wait3A_120 : memref<496x128xf32, #tpu.memory_space<vmem>>)
    %add3A_123 = arith.constant 992 : i32
    %add3A_124 = arith.addi %mul3A_2, %add3A_123 : i32
    %dma_start3A_125 = arith.constant 0 : i32
    %dma_start3A_126 = arith.constant 0 : i32
    %dma_start3A_127 = tpu.memref_slice %arg4[%dma_start3A_125, %dma_start3A_126] : memref<496x128xf32, #tpu.memory_space<vmem>> -> memref<496x128xf32, #tpu.memory_space<vmem>>
    %dma_start3A_128 = arith.constant 0 : i32
    %dma_start3A_129 = tpu.memref_slice %arg3[%add3A_124, %dma_start3A_128] : memref<320000x128xf32, #tpu.memory_space<hbm>> -> memref<496x128xf32, #tpu.memory_space<hbm>>
    %dma_start3A_130 = arith.constant 0 : i32
    %dma_start3A_131 = tpu.memref_slice %arg3[%add3A_124, %dma_start3A_130] : memref<320000x128xf32, #tpu.memory_space<hbm>> -> memref<496x128xf32, #tpu.memory_space<hbm>>
    %dma_start3A_132 = arith.constant 0 : i32
    %dma_start3A_133 = arith.constant 0 : i32
    %dma_start3A_134 = tpu.memref_slice %arg4[%dma_start3A_132, %dma_start3A_133] : memref<496x128xf32, #tpu.memory_space<vmem>> -> memref<496x128xf32, #tpu.memory_space<vmem>>
    tpu.enqueue_dma source(%dma_start3A_134 : memref<496x128xf32, #tpu.memory_space<vmem>>) target(%dma_start3A_131 : memref<496x128xf32, #tpu.memory_space<hbm>>) target_semaphore(%arg8 : memref<!tpu.dma_semaphore, #tpu.memory_space<semaphore_mem>>)
    %dma_wait3A_135 = arith.constant 0 : i32
    %dma_wait3A_136 = arith.constant 0 : i32
    %dma_wait3A_137 = tpu.memref_slice %arg4[%dma_wait3A_135, %dma_wait3A_136] : memref<496x128xf32, #tpu.memory_space<vmem>> -> memref<496x128xf32, #tpu.memory_space<vmem>>
    %dma_wait3A_138 = arith.constant 0 : i32
    %dma_wait3A_139 = tpu.memref_slice %arg3[%add3A_124, %dma_wait3A_138] : memref<320000x128xf32, #tpu.memory_space<hbm>> -> memref<496x128xf32, #tpu.memory_space<hbm>>
    %dma_wait3A_140 = arith.constant 0 : i32
    %dma_wait3A_141 = tpu.memref_slice %arg3[%add3A_124, %dma_wait3A_140] : memref<320000x128xf32, #tpu.memory_space<hbm>> -> memref<496x128xf32, #tpu.memory_space<hbm>>
    %dma_wait3A_142 = arith.constant 0 : i32
    %dma_wait3A_143 = arith.constant 0 : i32
    %dma_wait3A_144 = tpu.memref_slice %arg4[%dma_wait3A_142, %dma_wait3A_143] : memref<496x128xf32, #tpu.memory_space<vmem>> -> memref<496x128xf32, #tpu.memory_space<vmem>>
    tpu.wait_dma2 semaphore(%arg8 : memref<!tpu.dma_semaphore, #tpu.memory_space<semaphore_mem>>) src(%dma_wait3A_144 : memref<496x128xf32, #tpu.memory_space<vmem>>) dst(%dma_wait3A_141 : memref<496x128xf32, #tpu.memory_space<hbm>>)
    %add3A_145 = arith.constant 1984 : i32
    %add3A_146 = arith.addi %mul3A_2, %add3A_145 : i32
    %dma_start3A_147 = arith.constant 0 : i32
    %dma_start3A_148 = arith.constant 0 : i32
    %dma_start3A_149 = tpu.memref_slice %arg4[%dma_start3A_147, %dma_start3A_148] : memref<496x128xf32, #tpu.memory_space<vmem>> -> memref<496x128xf32, #tpu.memory_space<vmem>>
    %dma_start3A_150 = arith.constant 0 : i32
    %dma_start3A_151 = tpu.memref_slice %arg2[%add3A_146, %dma_start3A_150] : memref<320000x128xf32, #tpu.memory_space<hbm>> -> memref<496x128xf32, #tpu.memory_space<hbm>>
    %dma_start3A_152 = arith.constant 0 : i32
    %dma_start3A_153 = arith.constant 0 : i32
    %dma_start3A_154 = tpu.memref_slice %arg4[%dma_start3A_152, %dma_start3A_153] : memref<496x128xf32, #tpu.memory_space<vmem>> -> memref<496x128xf32, #tpu.memory_space<vmem>>
    %dma_start3A_155 = arith.constant 0 : i32
    %dma_start3A_156 = tpu.memref_slice %arg2[%add3A_146, %dma_start3A_155] : memref<320000x128xf32, #tpu.memory_space<hbm>> -> memref<496x128xf32, #tpu.memory_space<hbm>>
    tpu.enqueue_dma source(%dma_start3A_156 : memref<496x128xf32, #tpu.memory_space<hbm>>) target(%dma_start3A_154 : memref<496x128xf32, #tpu.memory_space<vmem>>) target_semaphore(%arg6 : memref<!tpu.dma_semaphore, #tpu.memory_space<semaphore_mem>>)
    %dma_wait3A_157 = arith.constant 0 : i32
    %dma_wait3A_158 = arith.constant 0 : i32
    %dma_wait3A_159 = tpu.memref_slice %arg5[%dma_wait3A_157, %dma_wait3A_158] : memref<496x128xf32, #tpu.memory_space<vmem>> -> memref<496x128xf32, #tpu.memory_space<vmem>>
    %dma_wait3A_160 = arith.constant 0 : i32
    %dma_wait3A_161 = tpu.memref_slice %arg2[%add3A_102, %dma_wait3A_160] : memref<320000x128xf32, #tpu.memory_space<hbm>> -> memref<496x128xf32, #tpu.memory_space<hbm>>
    %dma_wait3A_162 = arith.constant 0 : i32
    %dma_wait3A_163 = arith.constant 0 : i32
    %dma_wait3A_164 = tpu.memref_slice %arg5[%dma_wait3A_162, %dma_wait3A_163] : memref<496x128xf32, #tpu.memory_space<vmem>> -> memref<496x128xf32, #tpu.memory_space<vmem>>
    %dma_wait3A_165 = arith.constant 0 : i32
    %dma_wait3A_166 = tpu.memref_slice %arg2[%add3A_102, %dma_wait3A_165] : memref<320000x128xf32, #tpu.memory_space<hbm>> -> memref<496x128xf32, #tpu.memory_space<hbm>>
    tpu.wait_dma2 semaphore(%arg7 : memref<!tpu.dma_semaphore, #tpu.memory_space<semaphore_mem>>) src(%dma_wait3A_166 : memref<496x128xf32, #tpu.memory_space<hbm>>) dst(%dma_wait3A_164 : memref<496x128xf32, #tpu.memory_space<vmem>>)
    %add3A_167 = arith.constant 1488 : i32
    %add3A_168 = arith.addi %mul3A_2, %add3A_167 : i32
    %dma_start3A_169 = arith.constant 0 : i32
    %dma_start3A_170 = arith.constant 0 : i32
    %dma_start3A_171 = tpu.memref_slice %arg5[%dma_start3A_169, %dma_start3A_170] : memref<496x128xf32, #tpu.memory_space<vmem>> -> memref<496x128xf32, #tpu.memory_space<vmem>>
    %dma_start3A_172 = arith.constant 0 : i32
    %dma_start3A_173 = tpu.memref_slice %arg3[%add3A_168, %dma_start3A_172] : memref<320000x128xf32, #tpu.memory_space<hbm>> -> memref<496x128xf32, #tpu.memory_space<hbm>>
    %dma_start3A_174 = arith.constant 0 : i32
    %dma_start3A_175 = tpu.memref_slice %arg3[%add3A_168, %dma_start3A_174] : memref<320000x128xf32, #tpu.memory_space<hbm>> -> memref<496x128xf32, #tpu.memory_space<hbm>>
    %dma_start3A_176 = arith.constant 0 : i32
    %dma_start3A_177 = arith.constant 0 : i32
    %dma_start3A_178 = tpu.memref_slice %arg5[%dma_start3A_176, %dma_start3A_177] : memref<496x128xf32, #tpu.memory_space<vmem>> -> memref<496x128xf32, #tpu.memory_space<vmem>>
    tpu.enqueue_dma source(%dma_start3A_178 : memref<496x128xf32, #tpu.memory_space<vmem>>) target(%dma_start3A_175 : memref<496x128xf32, #tpu.memory_space<hbm>>) target_semaphore(%arg9 : memref<!tpu.dma_semaphore, #tpu.memory_space<semaphore_mem>>)
    %dma_wait3A_179 = arith.constant 0 : i32
    %dma_wait3A_180 = arith.constant 0 : i32
    %dma_wait3A_181 = tpu.memref_slice %arg5[%dma_wait3A_179, %dma_wait3A_180] : memref<496x128xf32, #tpu.memory_space<vmem>> -> memref<496x128xf32, #tpu.memory_space<vmem>>
    %dma_wait3A_182 = arith.constant 0 : i32
    %dma_wait3A_183 = tpu.memref_slice %arg3[%add3A_168, %dma_wait3A_182] : memref<320000x128xf32, #tpu.memory_space<hbm>> -> memref<496x128xf32, #tpu.memory_space<hbm>>
    %dma_wait3A_184 = arith.constant 0 : i32
    %dma_wait3A_185 = tpu.memref_slice %arg3[%add3A_168, %dma_wait3A_184] : memref<320000x128xf32, #tpu.memory_space<hbm>> -> memref<496x128xf32, #tpu.memory_space<hbm>>
    %dma_wait3A_186 = arith.constant 0 : i32
    %dma_wait3A_187 = arith.constant 0 : i32
    %dma_wait3A_188 = tpu.memref_slice %arg5[%dma_wait3A_186, %dma_wait3A_187] : memref<496x128xf32, #tpu.memory_space<vmem>> -> memref<496x128xf32, #tpu.memory_space<vmem>>
    tpu.wait_dma2 semaphore(%arg9 : memref<!tpu.dma_semaphore, #tpu.memory_space<semaphore_mem>>) src(%dma_wait3A_188 : memref<496x128xf32, #tpu.memory_space<vmem>>) dst(%dma_wait3A_185 : memref<496x128xf32, #tpu.memory_space<hbm>>)
    %add3A_189 = arith.constant 2480 : i32
    %add3A_190 = arith.addi %mul3A_2, %add3A_189 : i32
    %dma_start3A_191 = arith.constant 0 : i32
    %dma_start3A_192 = arith.constant 0 : i32
    %dma_start3A_193 = tpu.memref_slice %arg5[%dma_start3A_191, %dma_start3A_192] : memref<496x128xf32, #tpu.memory_space<vmem>> -> memref<496x128xf32, #tpu.memory_space<vmem>>
    %dma_start3A_194 = arith.constant 0 : i32
    %dma_start3A_195 = tpu.memref_slice %arg2[%add3A_190, %dma_start3A_194] : memref<320000x128xf32, #tpu.memory_space<hbm>> -> memref<496x128xf32, #tpu.memory_space<hbm>>
    %dma_start3A_196 = arith.constant 0 : i32
    %dma_start3A_197 = arith.constant 0 : i32
    %dma_start3A_198 = tpu.memref_slice %arg5[%dma_start3A_196, %dma_start3A_197] : memref<496x128xf32, #tpu.memory_space<vmem>> -> memref<496x128xf32, #tpu.memory_space<vmem>>
    %dma_start3A_199 = arith.constant 0 : i32
    %dma_start3A_200 = tpu.memref_slice %arg2[%add3A_190, %dma_start3A_199] : memref<320000x128xf32, #tpu.memory_space<hbm>> -> memref<496x128xf32, #tpu.memory_space<hbm>>
    tpu.enqueue_dma source(%dma_start3A_200 : memref<496x128xf32, #tpu.memory_space<hbm>>) target(%dma_start3A_198 : memref<496x128xf32, #tpu.memory_space<vmem>>) target_semaphore(%arg7 : memref<!tpu.dma_semaphore, #tpu.memory_space<semaphore_mem>>)
    %dma_wait3A_201 = arith.constant 0 : i32
    %dma_wait3A_202 = arith.constant 0 : i32
    %dma_wait3A_203 = tpu.memref_slice %arg4[%dma_wait3A_201, %dma_wait3A_202] : memref<496x128xf32, #tpu.memory_space<vmem>> -> memref<496x128xf32, #tpu.memory_space<vmem>>
    %dma_wait3A_204 = arith.constant 0 : i32
    %dma_wait3A_205 = tpu.memref_slice %arg2[%add3A_146, %dma_wait3A_204] : memref<320000x128xf32, #tpu.memory_space<hbm>> -> memref<496x128xf32, #tpu.memory_space<hbm>>
    %dma_wait3A_206 = arith.constant 0 : i32
    %dma_wait3A_207 = arith.constant 0 : i32
    %dma_wait3A_208 = tpu.memref_slice %arg4[%dma_wait3A_206, %dma_wait3A_207] : memref<496x128xf32, #tpu.memory_space<vmem>> -> memref<496x128xf32, #tpu.memory_space<vmem>>
    %dma_wait3A_209 = arith.constant 0 : i32
    %dma_wait3A_210 = tpu.memref_slice %arg2[%add3A_146, %dma_wait3A_209] : memref<320000x128xf32, #tpu.memory_space<hbm>> -> memref<496x128xf32, #tpu.memory_space<hbm>>
    tpu.wait_dma2 semaphore(%arg6 : memref<!tpu.dma_semaphore, #tpu.memory_space<semaphore_mem>>) src(%dma_wait3A_210 : memref<496x128xf32, #tpu.memory_space<hbm>>) dst(%dma_wait3A_208 : memref<496x128xf32, #tpu.memory_space<vmem>>)
    %add3A_211 = arith.constant 1984 : i32
    %add3A_212 = arith.addi %mul3A_2, %add3A_211 : i32
    %dma_start3A_213 = arith.constant 0 : i32
    %dma_start3A_214 = arith.constant 0 : i32
    %dma_start3A_215 = tpu.memref_slice %arg4[%dma_start3A_213, %dma_start3A_214] : memref<496x128xf32, #tpu.memory_space<vmem>> -> memref<496x128xf32, #tpu.memory_space<vmem>>
    %dma_start3A_216 = arith.constant 0 : i32
    %dma_start3A_217 = tpu.memref_slice %arg3[%add3A_212, %dma_start3A_216] : memref<320000x128xf32, #tpu.memory_space<hbm>> -> memref<496x128xf32, #tpu.memory_space<hbm>>
    %dma_start3A_218 = arith.constant 0 : i32
    %dma_start3A_219 = tpu.memref_slice %arg3[%add3A_212, %dma_start3A_218] : memref<320000x128xf32, #tpu.memory_space<hbm>> -> memref<496x128xf32, #tpu.memory_space<hbm>>
    %dma_start3A_220 = arith.constant 0 : i32
    %dma_start3A_221 = arith.constant 0 : i32
    %dma_start3A_222 = tpu.memref_slice %arg4[%dma_start3A_220, %dma_start3A_221] : memref<496x128xf32, #tpu.memory_space<vmem>> -> memref<496x128xf32, #tpu.memory_space<vmem>>
    tpu.enqueue_dma source(%dma_start3A_222 : memref<496x128xf32, #tpu.memory_space<vmem>>) target(%dma_start3A_219 : memref<496x128xf32, #tpu.memory_space<hbm>>) target_semaphore(%arg8 : memref<!tpu.dma_semaphore, #tpu.memory_space<semaphore_mem>>)
    %dma_wait3A_223 = arith.constant 0 : i32
    %dma_wait3A_224 = arith.constant 0 : i32
    %dma_wait3A_225 = tpu.memref_slice %arg4[%dma_wait3A_223, %dma_wait3A_224] : memref<496x128xf32, #tpu.memory_space<vmem>> -> memref<496x128xf32, #tpu.memory_space<vmem>>
    %dma_wait3A_226 = arith.constant 0 : i32
    %dma_wait3A_227 = tpu.memref_slice %arg3[%add3A_212, %dma_wait3A_226] : memref<320000x128xf32, #tpu.memory_space<hbm>> -> memref<496x128xf32, #tpu.memory_space<hbm>>
    %dma_wait3A_228 = arith.constant 0 : i32
    %dma_wait3A_229 = tpu.memref_slice %arg3[%add3A_212, %dma_wait3A_228] : memref<320000x128xf32, #tpu.memory_space<hbm>> -> memref<496x128xf32, #tpu.memory_space<hbm>>
    %dma_wait3A_230 = arith.constant 0 : i32
    %dma_wait3A_231 = arith.constant 0 : i32
    %dma_wait3A_232 = tpu.memref_slice %arg4[%dma_wait3A_230, %dma_wait3A_231] : memref<496x128xf32, #tpu.memory_space<vmem>> -> memref<496x128xf32, #tpu.memory_space<vmem>>
    tpu.wait_dma2 semaphore(%arg8 : memref<!tpu.dma_semaphore, #tpu.memory_space<semaphore_mem>>) src(%dma_wait3A_232 : memref<496x128xf32, #tpu.memory_space<vmem>>) dst(%dma_wait3A_229 : memref<496x128xf32, #tpu.memory_space<hbm>>)
    %add3A_233 = arith.constant 2976 : i32
    %add3A_234 = arith.addi %mul3A_2, %add3A_233 : i32
    %dma_start3A_235 = arith.constant 0 : i32
    %dma_start3A_236 = arith.constant 0 : i32
    %dma_start3A_237 = tpu.memref_slice %arg4[%dma_start3A_235, %dma_start3A_236] : memref<496x128xf32, #tpu.memory_space<vmem>> -> memref<496x128xf32, #tpu.memory_space<vmem>>
    %dma_start3A_238 = arith.constant 0 : i32
    %dma_start3A_239 = tpu.memref_slice %arg2[%add3A_234, %dma_start3A_238] : memref<320000x128xf32, #tpu.memory_space<hbm>> -> memref<496x128xf32, #tpu.memory_space<hbm>>
    %dma_start3A_240 = arith.constant 0 : i32
    %dma_start3A_241 = arith.constant 0 : i32
    %dma_start3A_242 = tpu.memref_slice %arg4[%dma_start3A_240, %dma_start3A_241] : memref<496x128xf32, #tpu.memory_space<vmem>> -> memref<496x128xf32, #tpu.memory_space<vmem>>
    %dma_start3A_243 = arith.constant 0 : i32
    %dma_start3A_244 = tpu.memref_slice %arg2[%add3A_234, %dma_start3A_243] : memref<320000x128xf32, #tpu.memory_space<hbm>> -> memref<496x128xf32, #tpu.memory_space<hbm>>
    tpu.enqueue_dma source(%dma_start3A_244 : memref<496x128xf32, #tpu.memory_space<hbm>>) target(%dma_start3A_242 : memref<496x128xf32, #tpu.memory_space<vmem>>) target_semaphore(%arg6 : memref<!tpu.dma_semaphore, #tpu.memory_space<semaphore_mem>>)
    %dma_wait3A_245 = arith.constant 0 : i32
    %dma_wait3A_246 = arith.constant 0 : i32
    %dma_wait3A_247 = tpu.memref_slice %arg5[%dma_wait3A_245, %dma_wait3A_246] : memref<496x128xf32, #tpu.memory_space<vmem>> -> memref<496x128xf32, #tpu.memory_space<vmem>>
    %dma_wait3A_248 = arith.constant 0 : i32
    %dma_wait3A_249 = tpu.memref_slice %arg2[%add3A_190, %dma_wait3A_248] : memref<320000x128xf32, #tpu.memory_space<hbm>> -> memref<496x128xf32, #tpu.memory_space<hbm>>
    %dma_wait3A_250 = arith.constant 0 : i32
    %dma_wait3A_251 = arith.constant 0 : i32
    %dma_wait3A_252 = tpu.memref_slice %arg5[%dma_wait3A_250, %dma_wait3A_251] : memref<496x128xf32, #tpu.memory_space<vmem>> -> memref<496x128xf32, #tpu.memory_space<vmem>>
    %dma_wait3A_253 = arith.constant 0 : i32
    %dma_wait3A_254 = tpu.memref_slice %arg2[%add3A_190, %dma_wait3A_253] : memref<320000x128xf32, #tpu.memory_space<hbm>> -> memref<496x128xf32, #tpu.memory_space<hbm>>
    tpu.wait_dma2 semaphore(%arg7 : memref<!tpu.dma_semaphore, #tpu.memory_space<semaphore_mem>>) src(%dma_wait3A_254 : memref<496x128xf32, #tpu.memory_space<hbm>>) dst(%dma_wait3A_252 : memref<496x128xf32, #tpu.memory_space<vmem>>)
    %add3A_255 = arith.constant 2480 : i32
    %add3A_256 = arith.addi %mul3A_2, %add3A_255 : i32
    %dma_start3A_257 = arith.constant 0 : i32
    %dma_start3A_258 = arith.constant 0 : i32
    %dma_start3A_259 = tpu.memref_slice %arg5[%dma_start3A_257, %dma_start3A_258] : memref<496x128xf32, #tpu.memory_space<vmem>> -> memref<496x128xf32, #tpu.memory_space<vmem>>
    %dma_start3A_260 = arith.constant 0 : i32
    %dma_start3A_261 = tpu.memref_slice %arg3[%add3A_256, %dma_start3A_260] : memref<320000x128xf32, #tpu.memory_space<hbm>> -> memref<496x128xf32, #tpu.memory_space<hbm>>
    %dma_start3A_262 = arith.constant 0 : i32
    %dma_start3A_263 = tpu.memref_slice %arg3[%add3A_256, %dma_start3A_262] : memref<320000x128xf32, #tpu.memory_space<hbm>> -> memref<496x128xf32, #tpu.memory_space<hbm>>
    %dma_start3A_264 = arith.constant 0 : i32
    %dma_start3A_265 = arith.constant 0 : i32
    %dma_start3A_266 = tpu.memref_slice %arg5[%dma_start3A_264, %dma_start3A_265] : memref<496x128xf32, #tpu.memory_space<vmem>> -> memref<496x128xf32, #tpu.memory_space<vmem>>
    tpu.enqueue_dma source(%dma_start3A_266 : memref<496x128xf32, #tpu.memory_space<vmem>>) target(%dma_start3A_263 : memref<496x128xf32, #tpu.memory_space<hbm>>) target_semaphore(%arg9 : memref<!tpu.dma_semaphore, #tpu.memory_space<semaphore_mem>>)
    %dma_wait3A_267 = arith.constant 0 : i32
    %dma_wait3A_268 = arith.constant 0 : i32
    %dma_wait3A_269 = tpu.memref_slice %arg5[%dma_wait3A_267, %dma_wait3A_268] : memref<496x128xf32, #tpu.memory_space<vmem>> -> memref<496x128xf32, #tpu.memory_space<vmem>>
    %dma_wait3A_270 = arith.constant 0 : i32
    %dma_wait3A_271 = tpu.memref_slice %arg3[%add3A_256, %dma_wait3A_270] : memref<320000x128xf32, #tpu.memory_space<hbm>> -> memref<496x128xf32, #tpu.memory_space<hbm>>
    %dma_wait3A_272 = arith.constant 0 : i32
    %dma_wait3A_273 = tpu.memref_slice %arg3[%add3A_256, %dma_wait3A_272] : memref<320000x128xf32, #tpu.memory_space<hbm>> -> memref<496x128xf32, #tpu.memory_space<hbm>>
    %dma_wait3A_274 = arith.constant 0 : i32
    %dma_wait3A_275 = arith.constant 0 : i32
    %dma_wait3A_276 = tpu.memref_slice %arg5[%dma_wait3A_274, %dma_wait3A_275] : memref<496x128xf32, #tpu.memory_space<vmem>> -> memref<496x128xf32, #tpu.memory_space<vmem>>
    tpu.wait_dma2 semaphore(%arg9 : memref<!tpu.dma_semaphore, #tpu.memory_space<semaphore_mem>>) src(%dma_wait3A_276 : memref<496x128xf32, #tpu.memory_space<vmem>>) dst(%dma_wait3A_273 : memref<496x128xf32, #tpu.memory_space<hbm>>)
    %add3A_277 = arith.constant 3472 : i32
    %add3A_278 = arith.addi %mul3A_2, %add3A_277 : i32
    %dma_start3A_279 = arith.constant 0 : i32
    %dma_start3A_280 = arith.constant 0 : i32
    %dma_start3A_281 = tpu.memref_slice %arg5[%dma_start3A_279, %dma_start3A_280] : memref<496x128xf32, #tpu.memory_space<vmem>> -> memref<496x128xf32, #tpu.memory_space<vmem>>
    %dma_start3A_282 = arith.constant 0 : i32
    %dma_start3A_283 = tpu.memref_slice %arg2[%add3A_278, %dma_start3A_282] : memref<320000x128xf32, #tpu.memory_space<hbm>> -> memref<496x128xf32, #tpu.memory_space<hbm>>
    %dma_start3A_284 = arith.constant 0 : i32
    %dma_start3A_285 = arith.constant 0 : i32
    %dma_start3A_286 = tpu.memref_slice %arg5[%dma_start3A_284, %dma_start3A_285] : memref<496x128xf32, #tpu.memory_space<vmem>> -> memref<496x128xf32, #tpu.memory_space<vmem>>
    %dma_start3A_287 = arith.constant 0 : i32
    %dma_start3A_288 = tpu.memref_slice %arg2[%add3A_278, %dma_start3A_287] : memref<320000x128xf32, #tpu.memory_space<hbm>> -> memref<496x128xf32, #tpu.memory_space<hbm>>
    tpu.enqueue_dma source(%dma_start3A_288 : memref<496x128xf32, #tpu.memory_space<hbm>>) target(%dma_start3A_286 : memref<496x128xf32, #tpu.memory_space<vmem>>) target_semaphore(%arg7 : memref<!tpu.dma_semaphore, #tpu.memory_space<semaphore_mem>>)
    %dma_wait3A_289 = arith.constant 0 : i32
    %dma_wait3A_290 = arith.constant 0 : i32
    %dma_wait3A_291 = tpu.memref_slice %arg4[%dma_wait3A_289, %dma_wait3A_290] : memref<496x128xf32, #tpu.memory_space<vmem>> -> memref<496x128xf32, #tpu.memory_space<vmem>>
    %dma_wait3A_292 = arith.constant 0 : i32
    %dma_wait3A_293 = tpu.memref_slice %arg2[%add3A_234, %dma_wait3A_292] : memref<320000x128xf32, #tpu.memory_space<hbm>> -> memref<496x128xf32, #tpu.memory_space<hbm>>
    %dma_wait3A_294 = arith.constant 0 : i32
    %dma_wait3A_295 = arith.constant 0 : i32
    %dma_wait3A_296 = tpu.memref_slice %arg4[%dma_wait3A_294, %dma_wait3A_295] : memref<496x128xf32, #tpu.memory_space<vmem>> -> memref<496x128xf32, #tpu.memory_space<vmem>>
    %dma_wait3A_297 = arith.constant 0 : i32
    %dma_wait3A_298 = tpu.memref_slice %arg2[%add3A_234, %dma_wait3A_297] : memref<320000x128xf32, #tpu.memory_space<hbm>> -> memref<496x128xf32, #tpu.memory_space<hbm>>
    tpu.wait_dma2 semaphore(%arg6 : memref<!tpu.dma_semaphore, #tpu.memory_space<semaphore_mem>>) src(%dma_wait3A_298 : memref<496x128xf32, #tpu.memory_space<hbm>>) dst(%dma_wait3A_296 : memref<496x128xf32, #tpu.memory_space<vmem>>)
    %add3A_299 = arith.constant 2976 : i32
    %add3A_300 = arith.addi %mul3A_2, %add3A_299 : i32
    %dma_start3A_301 = arith.constant 0 : i32
    %dma_start3A_302 = arith.constant 0 : i32
    %dma_start3A_303 = tpu.memref_slice %arg4[%dma_start3A_301, %dma_start3A_302] : memref<496x128xf32, #tpu.memory_space<vmem>> -> memref<496x128xf32, #tpu.memory_space<vmem>>
    %dma_start3A_304 = arith.constant 0 : i32
    %dma_start3A_305 = tpu.memref_slice %arg3[%add3A_300, %dma_start3A_304] : memref<320000x128xf32, #tpu.memory_space<hbm>> -> memref<496x128xf32, #tpu.memory_space<hbm>>
    %dma_start3A_306 = arith.constant 0 : i32
    %dma_start3A_307 = tpu.memref_slice %arg3[%add3A_300, %dma_start3A_306] : memref<320000x128xf32, #tpu.memory_space<hbm>> -> memref<496x128xf32, #tpu.memory_space<hbm>>
    %dma_start3A_308 = arith.constant 0 : i32
    %dma_start3A_309 = arith.constant 0 : i32
    %dma_start3A_310 = tpu.memref_slice %arg4[%dma_start3A_308, %dma_start3A_309] : memref<496x128xf32, #tpu.memory_space<vmem>> -> memref<496x128xf32, #tpu.memory_space<vmem>>
    tpu.enqueue_dma source(%dma_start3A_310 : memref<496x128xf32, #tpu.memory_space<vmem>>) target(%dma_start3A_307 : memref<496x128xf32, #tpu.memory_space<hbm>>) target_semaphore(%arg8 : memref<!tpu.dma_semaphore, #tpu.memory_space<semaphore_mem>>)
    %dma_wait3A_311 = arith.constant 0 : i32
    %dma_wait3A_312 = arith.constant 0 : i32
    %dma_wait3A_313 = tpu.memref_slice %arg4[%dma_wait3A_311, %dma_wait3A_312] : memref<496x128xf32, #tpu.memory_space<vmem>> -> memref<496x128xf32, #tpu.memory_space<vmem>>
    %dma_wait3A_314 = arith.constant 0 : i32
    %dma_wait3A_315 = tpu.memref_slice %arg3[%add3A_300, %dma_wait3A_314] : memref<320000x128xf32, #tpu.memory_space<hbm>> -> memref<496x128xf32, #tpu.memory_space<hbm>>
    %dma_wait3A_316 = arith.constant 0 : i32
    %dma_wait3A_317 = tpu.memref_slice %arg3[%add3A_300, %dma_wait3A_316] : memref<320000x128xf32, #tpu.memory_space<hbm>> -> memref<496x128xf32, #tpu.memory_space<hbm>>
    %dma_wait3A_318 = arith.constant 0 : i32
    %dma_wait3A_319 = arith.constant 0 : i32
    %dma_wait3A_320 = tpu.memref_slice %arg4[%dma_wait3A_318, %dma_wait3A_319] : memref<496x128xf32, #tpu.memory_space<vmem>> -> memref<496x128xf32, #tpu.memory_space<vmem>>
    tpu.wait_dma2 semaphore(%arg8 : memref<!tpu.dma_semaphore, #tpu.memory_space<semaphore_mem>>) src(%dma_wait3A_320 : memref<496x128xf32, #tpu.memory_space<vmem>>) dst(%dma_wait3A_317 : memref<496x128xf32, #tpu.memory_space<hbm>>)
    %add3A_321 = arith.constant 3968 : i32
    %add3A_322 = arith.addi %mul3A_2, %add3A_321 : i32
    %dma_start3A_323 = arith.constant 0 : i32
    %dma_start3A_324 = arith.constant 0 : i32
    %dma_start3A_325 = tpu.memref_slice %arg4[%dma_start3A_323, %dma_start3A_324] : memref<496x128xf32, #tpu.memory_space<vmem>> -> memref<496x128xf32, #tpu.memory_space<vmem>>
    %dma_start3A_326 = arith.constant 0 : i32
    %dma_start3A_327 = tpu.memref_slice %arg2[%add3A_322, %dma_start3A_326] : memref<320000x128xf32, #tpu.memory_space<hbm>> -> memref<496x128xf32, #tpu.memory_space<hbm>>
    %dma_start3A_328 = arith.constant 0 : i32
    %dma_start3A_329 = arith.constant 0 : i32
    %dma_start3A_330 = tpu.memref_slice %arg4[%dma_start3A_328, %dma_start3A_329] : memref<496x128xf32, #tpu.memory_space<vmem>> -> memref<496x128xf32, #tpu.memory_space<vmem>>
    %dma_start3A_331 = arith.constant 0 : i32
    %dma_start3A_332 = tpu.memref_slice %arg2[%add3A_322, %dma_start3A_331] : memref<320000x128xf32, #tpu.memory_space<hbm>> -> memref<496x128xf32, #tpu.memory_space<hbm>>
    tpu.enqueue_dma source(%dma_start3A_332 : memref<496x128xf32, #tpu.memory_space<hbm>>) target(%dma_start3A_330 : memref<496x128xf32, #tpu.memory_space<vmem>>) target_semaphore(%arg6 : memref<!tpu.dma_semaphore, #tpu.memory_space<semaphore_mem>>)
    %dma_wait3A_333 = arith.constant 0 : i32
    %dma_wait3A_334 = arith.constant 0 : i32
    %dma_wait3A_335 = tpu.memref_slice %arg5[%dma_wait3A_333, %dma_wait3A_334] : memref<496x128xf32, #tpu.memory_space<vmem>> -> memref<496x128xf32, #tpu.memory_space<vmem>>
    %dma_wait3A_336 = arith.constant 0 : i32
    %dma_wait3A_337 = tpu.memref_slice %arg2[%add3A_278, %dma_wait3A_336] : memref<320000x128xf32, #tpu.memory_space<hbm>> -> memref<496x128xf32, #tpu.memory_space<hbm>>
    %dma_wait3A_338 = arith.constant 0 : i32
    %dma_wait3A_339 = arith.constant 0 : i32
    %dma_wait3A_340 = tpu.memref_slice %arg5[%dma_wait3A_338, %dma_wait3A_339] : memref<496x128xf32, #tpu.memory_space<vmem>> -> memref<496x128xf32, #tpu.memory_space<vmem>>
    %dma_wait3A_341 = arith.constant 0 : i32
    %dma_wait3A_342 = tpu.memref_slice %arg2[%add3A_278, %dma_wait3A_341] : memref<320000x128xf32, #tpu.memory_space<hbm>> -> memref<496x128xf32, #tpu.memory_space<hbm>>
    tpu.wait_dma2 semaphore(%arg7 : memref<!tpu.dma_semaphore, #tpu.memory_space<semaphore_mem>>) src(%dma_wait3A_342 : memref<496x128xf32, #tpu.memory_space<hbm>>) dst(%dma_wait3A_340 : memref<496x128xf32, #tpu.memory_space<vmem>>)
    %add3A_343 = arith.constant 3472 : i32
    %add3A_344 = arith.addi %mul3A_2, %add3A_343 : i32
    %dma_start3A_345 = arith.constant 0 : i32
    %dma_start3A_346 = arith.constant 0 : i32
    %dma_start3A_347 = tpu.memref_slice %arg5[%dma_start3A_345, %dma_start3A_346] : memref<496x128xf32, #tpu.memory_space<vmem>> -> memref<496x128xf32, #tpu.memory_space<vmem>>
    %dma_start3A_348 = arith.constant 0 : i32
    %dma_start3A_349 = tpu.memref_slice %arg3[%add3A_344, %dma_start3A_348] : memref<320000x128xf32, #tpu.memory_space<hbm>> -> memref<496x128xf32, #tpu.memory_space<hbm>>
    %dma_start3A_350 = arith.constant 0 : i32
    %dma_start3A_351 = tpu.memref_slice %arg3[%add3A_344, %dma_start3A_350] : memref<320000x128xf32, #tpu.memory_space<hbm>> -> memref<496x128xf32, #tpu.memory_space<hbm>>
    %dma_start3A_352 = arith.constant 0 : i32
    %dma_start3A_353 = arith.constant 0 : i32
    %dma_start3A_354 = tpu.memref_slice %arg5[%dma_start3A_352, %dma_start3A_353] : memref<496x128xf32, #tpu.memory_space<vmem>> -> memref<496x128xf32, #tpu.memory_space<vmem>>
    tpu.enqueue_dma source(%dma_start3A_354 : memref<496x128xf32, #tpu.memory_space<vmem>>) target(%dma_start3A_351 : memref<496x128xf32, #tpu.memory_space<hbm>>) target_semaphore(%arg9 : memref<!tpu.dma_semaphore, #tpu.memory_space<semaphore_mem>>)
    %dma_wait3A_355 = arith.constant 0 : i32
    %dma_wait3A_356 = arith.constant 0 : i32
    %dma_wait3A_357 = tpu.memref_slice %arg5[%dma_wait3A_355, %dma_wait3A_356] : memref<496x128xf32, #tpu.memory_space<vmem>> -> memref<496x128xf32, #tpu.memory_space<vmem>>
    %dma_wait3A_358 = arith.constant 0 : i32
    %dma_wait3A_359 = tpu.memref_slice %arg3[%add3A_344, %dma_wait3A_358] : memref<320000x128xf32, #tpu.memory_space<hbm>> -> memref<496x128xf32, #tpu.memory_space<hbm>>
    %dma_wait3A_360 = arith.constant 0 : i32
    %dma_wait3A_361 = tpu.memref_slice %arg3[%add3A_344, %dma_wait3A_360] : memref<320000x128xf32, #tpu.memory_space<hbm>> -> memref<496x128xf32, #tpu.memory_space<hbm>>
    %dma_wait3A_362 = arith.constant 0 : i32
    %dma_wait3A_363 = arith.constant 0 : i32
    %dma_wait3A_364 = tpu.memref_slice %arg5[%dma_wait3A_362, %dma_wait3A_363] : memref<496x128xf32, #tpu.memory_space<vmem>> -> memref<496x128xf32, #tpu.memory_space<vmem>>
    tpu.wait_dma2 semaphore(%arg9 : memref<!tpu.dma_semaphore, #tpu.memory_space<semaphore_mem>>) src(%dma_wait3A_364 : memref<496x128xf32, #tpu.memory_space<vmem>>) dst(%dma_wait3A_361 : memref<496x128xf32, #tpu.memory_space<hbm>>)
    %add3A_365 = arith.constant 4464 : i32
    %add3A_366 = arith.addi %mul3A_2, %add3A_365 : i32
    %dma_start3A_367 = arith.constant 0 : i32
    %dma_start3A_368 = arith.constant 0 : i32
    %dma_start3A_369 = tpu.memref_slice %arg5[%dma_start3A_367, %dma_start3A_368] : memref<496x128xf32, #tpu.memory_space<vmem>> -> memref<496x128xf32, #tpu.memory_space<vmem>>
    %dma_start3A_370 = arith.constant 0 : i32
    %dma_start3A_371 = tpu.memref_slice %arg2[%add3A_366, %dma_start3A_370] : memref<320000x128xf32, #tpu.memory_space<hbm>> -> memref<496x128xf32, #tpu.memory_space<hbm>>
    %dma_start3A_372 = arith.constant 0 : i32
    %dma_start3A_373 = arith.constant 0 : i32
    %dma_start3A_374 = tpu.memref_slice %arg5[%dma_start3A_372, %dma_start3A_373] : memref<496x128xf32, #tpu.memory_space<vmem>> -> memref<496x128xf32, #tpu.memory_space<vmem>>
    %dma_start3A_375 = arith.constant 0 : i32
    %dma_start3A_376 = tpu.memref_slice %arg2[%add3A_366, %dma_start3A_375] : memref<320000x128xf32, #tpu.memory_space<hbm>> -> memref<496x128xf32, #tpu.memory_space<hbm>>
    tpu.enqueue_dma source(%dma_start3A_376 : memref<496x128xf32, #tpu.memory_space<hbm>>) target(%dma_start3A_374 : memref<496x128xf32, #tpu.memory_space<vmem>>) target_semaphore(%arg7 : memref<!tpu.dma_semaphore, #tpu.memory_space<semaphore_mem>>)
    %dma_wait3A_377 = arith.constant 0 : i32
    %dma_wait3A_378 = arith.constant 0 : i32
    %dma_wait3A_379 = tpu.memref_slice %arg4[%dma_wait3A_377, %dma_wait3A_378] : memref<496x128xf32, #tpu.memory_space<vmem>> -> memref<496x128xf32, #tpu.memory_space<vmem>>
    %dma_wait3A_380 = arith.constant 0 : i32
    %dma_wait3A_381 = tpu.memref_slice %arg2[%add3A_322, %dma_wait3A_380] : memref<320000x128xf32, #tpu.memory_space<hbm>> -> memref<496x128xf32, #tpu.memory_space<hbm>>
    %dma_wait3A_382 = arith.constant 0 : i32
    %dma_wait3A_383 = arith.constant 0 : i32
    %dma_wait3A_384 = tpu.memref_slice %arg4[%dma_wait3A_382, %dma_wait3A_383] : memref<496x128xf32, #tpu.memory_space<vmem>> -> memref<496x128xf32, #tpu.memory_space<vmem>>
    %dma_wait3A_385 = arith.constant 0 : i32
    %dma_wait3A_386 = tpu.memref_slice %arg2[%add3A_322, %dma_wait3A_385] : memref<320000x128xf32, #tpu.memory_space<hbm>> -> memref<496x128xf32, #tpu.memory_space<hbm>>
    tpu.wait_dma2 semaphore(%arg6 : memref<!tpu.dma_semaphore, #tpu.memory_space<semaphore_mem>>) src(%dma_wait3A_386 : memref<496x128xf32, #tpu.memory_space<hbm>>) dst(%dma_wait3A_384 : memref<496x128xf32, #tpu.memory_space<vmem>>)
    %add3A_387 = arith.constant 3968 : i32
    %add3A_388 = arith.addi %mul3A_2, %add3A_387 : i32
    %dma_start3A_389 = arith.constant 0 : i32
    %dma_start3A_390 = arith.constant 0 : i32
    %dma_start3A_391 = tpu.memref_slice %arg4[%dma_start3A_389, %dma_start3A_390] : memref<496x128xf32, #tpu.memory_space<vmem>> -> memref<496x128xf32, #tpu.memory_space<vmem>>
    %dma_start3A_392 = arith.constant 0 : i32
    %dma_start3A_393 = tpu.memref_slice %arg3[%add3A_388, %dma_start3A_392] : memref<320000x128xf32, #tpu.memory_space<hbm>> -> memref<496x128xf32, #tpu.memory_space<hbm>>
    %dma_start3A_394 = arith.constant 0 : i32
    %dma_start3A_395 = tpu.memref_slice %arg3[%add3A_388, %dma_start3A_394] : memref<320000x128xf32, #tpu.memory_space<hbm>> -> memref<496x128xf32, #tpu.memory_space<hbm>>
    %dma_start3A_396 = arith.constant 0 : i32
    %dma_start3A_397 = arith.constant 0 : i32
    %dma_start3A_398 = tpu.memref_slice %arg4[%dma_start3A_396, %dma_start3A_397] : memref<496x128xf32, #tpu.memory_space<vmem>> -> memref<496x128xf32, #tpu.memory_space<vmem>>
    tpu.enqueue_dma source(%dma_start3A_398 : memref<496x128xf32, #tpu.memory_space<vmem>>) target(%dma_start3A_395 : memref<496x128xf32, #tpu.memory_space<hbm>>) target_semaphore(%arg8 : memref<!tpu.dma_semaphore, #tpu.memory_space<semaphore_mem>>)
    %dma_wait3A_399 = arith.constant 0 : i32
    %dma_wait3A_400 = arith.constant 0 : i32
    %dma_wait3A_401 = tpu.memref_slice %arg4[%dma_wait3A_399, %dma_wait3A_400] : memref<496x128xf32, #tpu.memory_space<vmem>> -> memref<496x128xf32, #tpu.memory_space<vmem>>
    %dma_wait3A_402 = arith.constant 0 : i32
    %dma_wait3A_403 = tpu.memref_slice %arg3[%add3A_388, %dma_wait3A_402] : memref<320000x128xf32, #tpu.memory_space<hbm>> -> memref<496x128xf32, #tpu.memory_space<hbm>>
    %dma_wait3A_404 = arith.constant 0 : i32
    %dma_wait3A_405 = tpu.memref_slice %arg3[%add3A_388, %dma_wait3A_404] : memref<320000x128xf32, #tpu.memory_space<hbm>> -> memref<496x128xf32, #tpu.memory_space<hbm>>
    %dma_wait3A_406 = arith.constant 0 : i32
    %dma_wait3A_407 = arith.constant 0 : i32
    %dma_wait3A_408 = tpu.memref_slice %arg4[%dma_wait3A_406, %dma_wait3A_407] : memref<496x128xf32, #tpu.memory_space<vmem>> -> memref<496x128xf32, #tpu.memory_space<vmem>>
    tpu.wait_dma2 semaphore(%arg8 : memref<!tpu.dma_semaphore, #tpu.memory_space<semaphore_mem>>) src(%dma_wait3A_408 : memref<496x128xf32, #tpu.memory_space<vmem>>) dst(%dma_wait3A_405 : memref<496x128xf32, #tpu.memory_space<hbm>>)
    %add3A_409 = arith.constant 4960 : i32
    %add3A_410 = arith.addi %mul3A_2, %add3A_409 : i32
    %dma_start3A_411 = arith.constant 0 : i32
    %dma_start3A_412 = arith.constant 0 : i32
    %dma_start3A_413 = tpu.memref_slice %arg4[%dma_start3A_411, %dma_start3A_412] : memref<496x128xf32, #tpu.memory_space<vmem>> -> memref<496x128xf32, #tpu.memory_space<vmem>>
    %dma_start3A_414 = arith.constant 0 : i32
    %dma_start3A_415 = tpu.memref_slice %arg2[%add3A_410, %dma_start3A_414] : memref<320000x128xf32, #tpu.memory_space<hbm>> -> memref<496x128xf32, #tpu.memory_space<hbm>>
    %dma_start3A_416 = arith.constant 0 : i32
    %dma_start3A_417 = arith.constant 0 : i32
    %dma_start3A_418 = tpu.memref_slice %arg4[%dma_start3A_416, %dma_start3A_417] : memref<496x128xf32, #tpu.memory_space<vmem>> -> memref<496x128xf32, #tpu.memory_space<vmem>>
    %dma_start3A_419 = arith.constant 0 : i32
    %dma_start3A_420 = tpu.memref_slice %arg2[%add3A_410, %dma_start3A_419] : memref<320000x128xf32, #tpu.memory_space<hbm>> -> memref<496x128xf32, #tpu.memory_space<hbm>>
    tpu.enqueue_dma source(%dma_start3A_420 : memref<496x128xf32, #tpu.memory_space<hbm>>) target(%dma_start3A_418 : memref<496x128xf32, #tpu.memory_space<vmem>>) target_semaphore(%arg6 : memref<!tpu.dma_semaphore, #tpu.memory_space<semaphore_mem>>)
    %dma_wait3A_421 = arith.constant 0 : i32
    %dma_wait3A_422 = arith.constant 0 : i32
    %dma_wait3A_423 = tpu.memref_slice %arg5[%dma_wait3A_421, %dma_wait3A_422] : memref<496x128xf32, #tpu.memory_space<vmem>> -> memref<496x128xf32, #tpu.memory_space<vmem>>
    %dma_wait3A_424 = arith.constant 0 : i32
    %dma_wait3A_425 = tpu.memref_slice %arg2[%add3A_366, %dma_wait3A_424] : memref<320000x128xf32, #tpu.memory_space<hbm>> -> memref<496x128xf32, #tpu.memory_space<hbm>>
    %dma_wait3A_426 = arith.constant 0 : i32
    %dma_wait3A_427 = arith.constant 0 : i32
    %dma_wait3A_428 = tpu.memref_slice %arg5[%dma_wait3A_426, %dma_wait3A_427] : memref<496x128xf32, #tpu.memory_space<vmem>> -> memref<496x128xf32, #tpu.memory_space<vmem>>
    %dma_wait3A_429 = arith.constant 0 : i32
    %dma_wait3A_430 = tpu.memref_slice %arg2[%add3A_366, %dma_wait3A_429] : memref<320000x128xf32, #tpu.memory_space<hbm>> -> memref<496x128xf32, #tpu.memory_space<hbm>>
    tpu.wait_dma2 semaphore(%arg7 : memref<!tpu.dma_semaphore, #tpu.memory_space<semaphore_mem>>) src(%dma_wait3A_430 : memref<496x128xf32, #tpu.memory_space<hbm>>) dst(%dma_wait3A_428 : memref<496x128xf32, #tpu.memory_space<vmem>>)
    %add3A_431 = arith.constant 4464 : i32
    %add3A_432 = arith.addi %mul3A_2, %add3A_431 : i32
    %dma_start3A_433 = arith.constant 0 : i32
    %dma_start3A_434 = arith.constant 0 : i32
    %dma_start3A_435 = tpu.memref_slice %arg5[%dma_start3A_433, %dma_start3A_434] : memref<496x128xf32, #tpu.memory_space<vmem>> -> memref<496x128xf32, #tpu.memory_space<vmem>>
    %dma_start3A_436 = arith.constant 0 : i32
    %dma_start3A_437 = tpu.memref_slice %arg3[%add3A_432, %dma_start3A_436] : memref<320000x128xf32, #tpu.memory_space<hbm>> -> memref<496x128xf32, #tpu.memory_space<hbm>>
    %dma_start3A_438 = arith.constant 0 : i32
    %dma_start3A_439 = tpu.memref_slice %arg3[%add3A_432, %dma_start3A_438] : memref<320000x128xf32, #tpu.memory_space<hbm>> -> memref<496x128xf32, #tpu.memory_space<hbm>>
    %dma_start3A_440 = arith.constant 0 : i32
    %dma_start3A_441 = arith.constant 0 : i32
    %dma_start3A_442 = tpu.memref_slice %arg5[%dma_start3A_440, %dma_start3A_441] : memref<496x128xf32, #tpu.memory_space<vmem>> -> memref<496x128xf32, #tpu.memory_space<vmem>>
    tpu.enqueue_dma source(%dma_start3A_442 : memref<496x128xf32, #tpu.memory_space<vmem>>) target(%dma_start3A_439 : memref<496x128xf32, #tpu.memory_space<hbm>>) target_semaphore(%arg9 : memref<!tpu.dma_semaphore, #tpu.memory_space<semaphore_mem>>)
    %dma_wait3A_443 = arith.constant 0 : i32
    %dma_wait3A_444 = arith.constant 0 : i32
    %dma_wait3A_445 = tpu.memref_slice %arg5[%dma_wait3A_443, %dma_wait3A_444] : memref<496x128xf32, #tpu.memory_space<vmem>> -> memref<496x128xf32, #tpu.memory_space<vmem>>
    %dma_wait3A_446 = arith.constant 0 : i32
    %dma_wait3A_447 = tpu.memref_slice %arg3[%add3A_432, %dma_wait3A_446] : memref<320000x128xf32, #tpu.memory_space<hbm>> -> memref<496x128xf32, #tpu.memory_space<hbm>>
    %dma_wait3A_448 = arith.constant 0 : i32
    %dma_wait3A_449 = tpu.memref_slice %arg3[%add3A_432, %dma_wait3A_448] : memref<320000x128xf32, #tpu.memory_space<hbm>> -> memref<496x128xf32, #tpu.memory_space<hbm>>
    %dma_wait3A_450 = arith.constant 0 : i32
    %dma_wait3A_451 = arith.constant 0 : i32
    %dma_wait3A_452 = tpu.memref_slice %arg5[%dma_wait3A_450, %dma_wait3A_451] : memref<496x128xf32, #tpu.memory_space<vmem>> -> memref<496x128xf32, #tpu.memory_space<vmem>>
    tpu.wait_dma2 semaphore(%arg9 : memref<!tpu.dma_semaphore, #tpu.memory_space<semaphore_mem>>) src(%dma_wait3A_452 : memref<496x128xf32, #tpu.memory_space<vmem>>) dst(%dma_wait3A_449 : memref<496x128xf32, #tpu.memory_space<hbm>>)
    %add3A_453 = arith.constant 5456 : i32
    %add3A_454 = arith.addi %mul3A_2, %add3A_453 : i32
    %dma_start3A_455 = arith.constant 0 : i32
    %dma_start3A_456 = arith.constant 0 : i32
    %dma_start3A_457 = tpu.memref_slice %arg5[%dma_start3A_455, %dma_start3A_456] : memref<496x128xf32, #tpu.memory_space<vmem>> -> memref<496x128xf32, #tpu.memory_space<vmem>>
    %dma_start3A_458 = arith.constant 0 : i32
    %dma_start3A_459 = tpu.memref_slice %arg2[%add3A_454, %dma_start3A_458] : memref<320000x128xf32, #tpu.memory_space<hbm>> -> memref<496x128xf32, #tpu.memory_space<hbm>>
    %dma_start3A_460 = arith.constant 0 : i32
    %dma_start3A_461 = arith.constant 0 : i32
    %dma_start3A_462 = tpu.memref_slice %arg5[%dma_start3A_460, %dma_start3A_461] : memref<496x128xf32, #tpu.memory_space<vmem>> -> memref<496x128xf32, #tpu.memory_space<vmem>>
    %dma_start3A_463 = arith.constant 0 : i32
    %dma_start3A_464 = tpu.memref_slice %arg2[%add3A_454, %dma_start3A_463] : memref<320000x128xf32, #tpu.memory_space<hbm>> -> memref<496x128xf32, #tpu.memory_space<hbm>>
    tpu.enqueue_dma source(%dma_start3A_464 : memref<496x128xf32, #tpu.memory_space<hbm>>) target(%dma_start3A_462 : memref<496x128xf32, #tpu.memory_space<vmem>>) target_semaphore(%arg7 : memref<!tpu.dma_semaphore, #tpu.memory_space<semaphore_mem>>)
    %dma_wait3A_465 = arith.constant 0 : i32
    %dma_wait3A_466 = arith.constant 0 : i32
    %dma_wait3A_467 = tpu.memref_slice %arg4[%dma_wait3A_465, %dma_wait3A_466] : memref<496x128xf32, #tpu.memory_space<vmem>> -> memref<496x128xf32, #tpu.memory_space<vmem>>
    %dma_wait3A_468 = arith.constant 0 : i32
    %dma_wait3A_469 = tpu.memref_slice %arg2[%add3A_410, %dma_wait3A_468] : memref<320000x128xf32, #tpu.memory_space<hbm>> -> memref<496x128xf32, #tpu.memory_space<hbm>>
    %dma_wait3A_470 = arith.constant 0 : i32
    %dma_wait3A_471 = arith.constant 0 : i32
    %dma_wait3A_472 = tpu.memref_slice %arg4[%dma_wait3A_470, %dma_wait3A_471] : memref<496x128xf32, #tpu.memory_space<vmem>> -> memref<496x128xf32, #tpu.memory_space<vmem>>
    %dma_wait3A_473 = arith.constant 0 : i32
    %dma_wait3A_474 = tpu.memref_slice %arg2[%add3A_410, %dma_wait3A_473] : memref<320000x128xf32, #tpu.memory_space<hbm>> -> memref<496x128xf32, #tpu.memory_space<hbm>>
    tpu.wait_dma2 semaphore(%arg6 : memref<!tpu.dma_semaphore, #tpu.memory_space<semaphore_mem>>) src(%dma_wait3A_474 : memref<496x128xf32, #tpu.memory_space<hbm>>) dst(%dma_wait3A_472 : memref<496x128xf32, #tpu.memory_space<vmem>>)
    %add3A_475 = arith.constant 4960 : i32
    %add3A_476 = arith.addi %mul3A_2, %add3A_475 : i32
    %dma_start3A_477 = arith.constant 0 : i32
    %dma_start3A_478 = arith.constant 0 : i32
    %dma_start3A_479 = tpu.memref_slice %arg4[%dma_start3A_477, %dma_start3A_478] : memref<496x128xf32, #tpu.memory_space<vmem>> -> memref<496x128xf32, #tpu.memory_space<vmem>>
    %dma_start3A_480 = arith.constant 0 : i32
    %dma_start3A_481 = tpu.memref_slice %arg3[%add3A_476, %dma_start3A_480] : memref<320000x128xf32, #tpu.memory_space<hbm>> -> memref<496x128xf32, #tpu.memory_space<hbm>>
    %dma_start3A_482 = arith.constant 0 : i32
    %dma_start3A_483 = tpu.memref_slice %arg3[%add3A_476, %dma_start3A_482] : memref<320000x128xf32, #tpu.memory_space<hbm>> -> memref<496x128xf32, #tpu.memory_space<hbm>>
    %dma_start3A_484 = arith.constant 0 : i32
    %dma_start3A_485 = arith.constant 0 : i32
    %dma_start3A_486 = tpu.memref_slice %arg4[%dma_start3A_484, %dma_start3A_485] : memref<496x128xf32, #tpu.memory_space<vmem>> -> memref<496x128xf32, #tpu.memory_space<vmem>>
    tpu.enqueue_dma source(%dma_start3A_486 : memref<496x128xf32, #tpu.memory_space<vmem>>) target(%dma_start3A_483 : memref<496x128xf32, #tpu.memory_space<hbm>>) target_semaphore(%arg8 : memref<!tpu.dma_semaphore, #tpu.memory_space<semaphore_mem>>)
    %dma_wait3A_487 = arith.constant 0 : i32
    %dma_wait3A_488 = arith.constant 0 : i32
    %dma_wait3A_489 = tpu.memref_slice %arg4[%dma_wait3A_487, %dma_wait3A_488] : memref<496x128xf32, #tpu.memory_space<vmem>> -> memref<496x128xf32, #tpu.memory_space<vmem>>
    %dma_wait3A_490 = arith.constant 0 : i32
    %dma_wait3A_491 = tpu.memref_slice %arg3[%add3A_476, %dma_wait3A_490] : memref<320000x128xf32, #tpu.memory_space<hbm>> -> memref<496x128xf32, #tpu.memory_space<hbm>>
    %dma_wait3A_492 = arith.constant 0 : i32
    %dma_wait3A_493 = tpu.memref_slice %arg3[%add3A_476, %dma_wait3A_492] : memref<320000x128xf32, #tpu.memory_space<hbm>> -> memref<496x128xf32, #tpu.memory_space<hbm>>
    %dma_wait3A_494 = arith.constant 0 : i32
    %dma_wait3A_495 = arith.constant 0 : i32
    %dma_wait3A_496 = tpu.memref_slice %arg4[%dma_wait3A_494, %dma_wait3A_495] : memref<496x128xf32, #tpu.memory_space<vmem>> -> memref<496x128xf32, #tpu.memory_space<vmem>>
    tpu.wait_dma2 semaphore(%arg8 : memref<!tpu.dma_semaphore, #tpu.memory_space<semaphore_mem>>) src(%dma_wait3A_496 : memref<496x128xf32, #tpu.memory_space<vmem>>) dst(%dma_wait3A_493 : memref<496x128xf32, #tpu.memory_space<hbm>>)
    %add3A_497 = arith.constant 5952 : i32
    %add3A_498 = arith.addi %mul3A_2, %add3A_497 : i32
    %dma_start3A_499 = arith.constant 0 : i32
    %dma_start3A_500 = arith.constant 0 : i32
    %dma_start3A_501 = tpu.memref_slice %arg4[%dma_start3A_499, %dma_start3A_500] : memref<496x128xf32, #tpu.memory_space<vmem>> -> memref<496x128xf32, #tpu.memory_space<vmem>>
    %dma_start3A_502 = arith.constant 0 : i32
    %dma_start3A_503 = tpu.memref_slice %arg2[%add3A_498, %dma_start3A_502] : memref<320000x128xf32, #tpu.memory_space<hbm>> -> memref<496x128xf32, #tpu.memory_space<hbm>>
    %dma_start3A_504 = arith.constant 0 : i32
    %dma_start3A_505 = arith.constant 0 : i32
    %dma_start3A_506 = tpu.memref_slice %arg4[%dma_start3A_504, %dma_start3A_505] : memref<496x128xf32, #tpu.memory_space<vmem>> -> memref<496x128xf32, #tpu.memory_space<vmem>>
    %dma_start3A_507 = arith.constant 0 : i32
    %dma_start3A_508 = tpu.memref_slice %arg2[%add3A_498, %dma_start3A_507] : memref<320000x128xf32, #tpu.memory_space<hbm>> -> memref<496x128xf32, #tpu.memory_space<hbm>>
    tpu.enqueue_dma source(%dma_start3A_508 : memref<496x128xf32, #tpu.memory_space<hbm>>) target(%dma_start3A_506 : memref<496x128xf32, #tpu.memory_space<vmem>>) target_semaphore(%arg6 : memref<!tpu.dma_semaphore, #tpu.memory_space<semaphore_mem>>)
    %dma_wait3A_509 = arith.constant 0 : i32
    %dma_wait3A_510 = arith.constant 0 : i32
    %dma_wait3A_511 = tpu.memref_slice %arg5[%dma_wait3A_509, %dma_wait3A_510] : memref<496x128xf32, #tpu.memory_space<vmem>> -> memref<496x128xf32, #tpu.memory_space<vmem>>
    %dma_wait3A_512 = arith.constant 0 : i32
    %dma_wait3A_513 = tpu.memref_slice %arg2[%add3A_454, %dma_wait3A_512] : memref<320000x128xf32, #tpu.memory_space<hbm>> -> memref<496x128xf32, #tpu.memory_space<hbm>>
    %dma_wait3A_514 = arith.constant 0 : i32
    %dma_wait3A_515 = arith.constant 0 : i32
    %dma_wait3A_516 = tpu.memref_slice %arg5[%dma_wait3A_514, %dma_wait3A_515] : memref<496x128xf32, #tpu.memory_space<vmem>> -> memref<496x128xf32, #tpu.memory_space<vmem>>
    %dma_wait3A_517 = arith.constant 0 : i32
    %dma_wait3A_518 = tpu.memref_slice %arg2[%add3A_454, %dma_wait3A_517] : memref<320000x128xf32, #tpu.memory_space<hbm>> -> memref<496x128xf32, #tpu.memory_space<hbm>>
    tpu.wait_dma2 semaphore(%arg7 : memref<!tpu.dma_semaphore, #tpu.memory_space<semaphore_mem>>) src(%dma_wait3A_518 : memref<496x128xf32, #tpu.memory_space<hbm>>) dst(%dma_wait3A_516 : memref<496x128xf32, #tpu.memory_space<vmem>>)
    %add3A_519 = arith.constant 5456 : i32
    %add3A_520 = arith.addi %mul3A_2, %add3A_519 : i32
    %dma_start3A_521 = arith.constant 0 : i32
    %dma_start3A_522 = arith.constant 0 : i32
    %dma_start3A_523 = tpu.memref_slice %arg5[%dma_start3A_521, %dma_start3A_522] : memref<496x128xf32, #tpu.memory_space<vmem>> -> memref<496x128xf32, #tpu.memory_space<vmem>>
    %dma_start3A_524 = arith.constant 0 : i32
    %dma_start3A_525 = tpu.memref_slice %arg3[%add3A_520, %dma_start3A_524] : memref<320000x128xf32, #tpu.memory_space<hbm>> -> memref<496x128xf32, #tpu.memory_space<hbm>>
    %dma_start3A_526 = arith.constant 0 : i32
    %dma_start3A_527 = tpu.memref_slice %arg3[%add3A_520, %dma_start3A_526] : memref<320000x128xf32, #tpu.memory_space<hbm>> -> memref<496x128xf32, #tpu.memory_space<hbm>>
    %dma_start3A_528 = arith.constant 0 : i32
    %dma_start3A_529 = arith.constant 0 : i32
    %dma_start3A_530 = tpu.memref_slice %arg5[%dma_start3A_528, %dma_start3A_529] : memref<496x128xf32, #tpu.memory_space<vmem>> -> memref<496x128xf32, #tpu.memory_space<vmem>>
    tpu.enqueue_dma source(%dma_start3A_530 : memref<496x128xf32, #tpu.memory_space<vmem>>) target(%dma_start3A_527 : memref<496x128xf32, #tpu.memory_space<hbm>>) target_semaphore(%arg9 : memref<!tpu.dma_semaphore, #tpu.memory_space<semaphore_mem>>)
    %dma_wait3A_531 = arith.constant 0 : i32
    %dma_wait3A_532 = arith.constant 0 : i32
    %dma_wait3A_533 = tpu.memref_slice %arg5[%dma_wait3A_531, %dma_wait3A_532] : memref<496x128xf32, #tpu.memory_space<vmem>> -> memref<496x128xf32, #tpu.memory_space<vmem>>
    %dma_wait3A_534 = arith.constant 0 : i32
    %dma_wait3A_535 = tpu.memref_slice %arg3[%add3A_520, %dma_wait3A_534] : memref<320000x128xf32, #tpu.memory_space<hbm>> -> memref<496x128xf32, #tpu.memory_space<hbm>>
    %dma_wait3A_536 = arith.constant 0 : i32
    %dma_wait3A_537 = tpu.memref_slice %arg3[%add3A_520, %dma_wait3A_536] : memref<320000x128xf32, #tpu.memory_space<hbm>> -> memref<496x128xf32, #tpu.memory_space<hbm>>
    %dma_wait3A_538 = arith.constant 0 : i32
    %dma_wait3A_539 = arith.constant 0 : i32
    %dma_wait3A_540 = tpu.memref_slice %arg5[%dma_wait3A_538, %dma_wait3A_539] : memref<496x128xf32, #tpu.memory_space<vmem>> -> memref<496x128xf32, #tpu.memory_space<vmem>>
    tpu.wait_dma2 semaphore(%arg9 : memref<!tpu.dma_semaphore, #tpu.memory_space<semaphore_mem>>) src(%dma_wait3A_540 : memref<496x128xf32, #tpu.memory_space<vmem>>) dst(%dma_wait3A_537 : memref<496x128xf32, #tpu.memory_space<hbm>>)
    %add3A_541 = arith.constant 6448 : i32
    %add3A_542 = arith.addi %mul3A_2, %add3A_541 : i32
    %dma_start3A_543 = arith.constant 0 : i32
    %dma_start3A_544 = arith.constant 0 : i32
    %dma_start3A_545 = tpu.memref_slice %arg5[%dma_start3A_543, %dma_start3A_544] : memref<496x128xf32, #tpu.memory_space<vmem>> -> memref<496x128xf32, #tpu.memory_space<vmem>>
    %dma_start3A_546 = arith.constant 0 : i32
    %dma_start3A_547 = tpu.memref_slice %arg2[%add3A_542, %dma_start3A_546] : memref<320000x128xf32, #tpu.memory_space<hbm>> -> memref<496x128xf32, #tpu.memory_space<hbm>>
    %dma_start3A_548 = arith.constant 0 : i32
    %dma_start3A_549 = arith.constant 0 : i32
    %dma_start3A_550 = tpu.memref_slice %arg5[%dma_start3A_548, %dma_start3A_549] : memref<496x128xf32, #tpu.memory_space<vmem>> -> memref<496x128xf32, #tpu.memory_space<vmem>>
    %dma_start3A_551 = arith.constant 0 : i32
    %dma_start3A_552 = tpu.memref_slice %arg2[%add3A_542, %dma_start3A_551] : memref<320000x128xf32, #tpu.memory_space<hbm>> -> memref<496x128xf32, #tpu.memory_space<hbm>>
    tpu.enqueue_dma source(%dma_start3A_552 : memref<496x128xf32, #tpu.memory_space<hbm>>) target(%dma_start3A_550 : memref<496x128xf32, #tpu.memory_space<vmem>>) target_semaphore(%arg7 : memref<!tpu.dma_semaphore, #tpu.memory_space<semaphore_mem>>)
    %dma_wait3A_553 = arith.constant 0 : i32
    %dma_wait3A_554 = arith.constant 0 : i32
    %dma_wait3A_555 = tpu.memref_slice %arg4[%dma_wait3A_553, %dma_wait3A_554] : memref<496x128xf32, #tpu.memory_space<vmem>> -> memref<496x128xf32, #tpu.memory_space<vmem>>
    %dma_wait3A_556 = arith.constant 0 : i32
    %dma_wait3A_557 = tpu.memref_slice %arg2[%add3A_498, %dma_wait3A_556] : memref<320000x128xf32, #tpu.memory_space<hbm>> -> memref<496x128xf32, #tpu.memory_space<hbm>>
    %dma_wait3A_558 = arith.constant 0 : i32
    %dma_wait3A_559 = arith.constant 0 : i32
    %dma_wait3A_560 = tpu.memref_slice %arg4[%dma_wait3A_558, %dma_wait3A_559] : memref<496x128xf32, #tpu.memory_space<vmem>> -> memref<496x128xf32, #tpu.memory_space<vmem>>
    %dma_wait3A_561 = arith.constant 0 : i32
    %dma_wait3A_562 = tpu.memref_slice %arg2[%add3A_498, %dma_wait3A_561] : memref<320000x128xf32, #tpu.memory_space<hbm>> -> memref<496x128xf32, #tpu.memory_space<hbm>>
    tpu.wait_dma2 semaphore(%arg6 : memref<!tpu.dma_semaphore, #tpu.memory_space<semaphore_mem>>) src(%dma_wait3A_562 : memref<496x128xf32, #tpu.memory_space<hbm>>) dst(%dma_wait3A_560 : memref<496x128xf32, #tpu.memory_space<vmem>>)
    %add3A_563 = arith.constant 5952 : i32
    %add3A_564 = arith.addi %mul3A_2, %add3A_563 : i32
    %dma_start3A_565 = arith.constant 0 : i32
    %dma_start3A_566 = arith.constant 0 : i32
    %dma_start3A_567 = tpu.memref_slice %arg4[%dma_start3A_565, %dma_start3A_566] : memref<496x128xf32, #tpu.memory_space<vmem>> -> memref<496x128xf32, #tpu.memory_space<vmem>>
    %dma_start3A_568 = arith.constant 0 : i32
    %dma_start3A_569 = tpu.memref_slice %arg3[%add3A_564, %dma_start3A_568] : memref<320000x128xf32, #tpu.memory_space<hbm>> -> memref<496x128xf32, #tpu.memory_space<hbm>>
    %dma_start3A_570 = arith.constant 0 : i32
    %dma_start3A_571 = tpu.memref_slice %arg3[%add3A_564, %dma_start3A_570] : memref<320000x128xf32, #tpu.memory_space<hbm>> -> memref<496x128xf32, #tpu.memory_space<hbm>>
    %dma_start3A_572 = arith.constant 0 : i32
    %dma_start3A_573 = arith.constant 0 : i32
    %dma_start3A_574 = tpu.memref_slice %arg4[%dma_start3A_572, %dma_start3A_573] : memref<496x128xf32, #tpu.memory_space<vmem>> -> memref<496x128xf32, #tpu.memory_space<vmem>>
    tpu.enqueue_dma source(%dma_start3A_574 : memref<496x128xf32, #tpu.memory_space<vmem>>) target(%dma_start3A_571 : memref<496x128xf32, #tpu.memory_space<hbm>>) target_semaphore(%arg8 : memref<!tpu.dma_semaphore, #tpu.memory_space<semaphore_mem>>)
    %dma_wait3A_575 = arith.constant 0 : i32
    %dma_wait3A_576 = arith.constant 0 : i32
    %dma_wait3A_577 = tpu.memref_slice %arg4[%dma_wait3A_575, %dma_wait3A_576] : memref<496x128xf32, #tpu.memory_space<vmem>> -> memref<496x128xf32, #tpu.memory_space<vmem>>
    %dma_wait3A_578 = arith.constant 0 : i32
    %dma_wait3A_579 = tpu.memref_slice %arg3[%add3A_564, %dma_wait3A_578] : memref<320000x128xf32, #tpu.memory_space<hbm>> -> memref<496x128xf32, #tpu.memory_space<hbm>>
    %dma_wait3A_580 = arith.constant 0 : i32
    %dma_wait3A_581 = tpu.memref_slice %arg3[%add3A_564, %dma_wait3A_580] : memref<320000x128xf32, #tpu.memory_space<hbm>> -> memref<496x128xf32, #tpu.memory_space<hbm>>
    %dma_wait3A_582 = arith.constant 0 : i32
    %dma_wait3A_583 = arith.constant 0 : i32
    %dma_wait3A_584 = tpu.memref_slice %arg4[%dma_wait3A_582, %dma_wait3A_583] : memref<496x128xf32, #tpu.memory_space<vmem>> -> memref<496x128xf32, #tpu.memory_space<vmem>>
    tpu.wait_dma2 semaphore(%arg8 : memref<!tpu.dma_semaphore, #tpu.memory_space<semaphore_mem>>) src(%dma_wait3A_584 : memref<496x128xf32, #tpu.memory_space<vmem>>) dst(%dma_wait3A_581 : memref<496x128xf32, #tpu.memory_space<hbm>>)
    %add3A_585 = arith.constant 6944 : i32
    %add3A_586 = arith.addi %mul3A_2, %add3A_585 : i32
    %dma_start3A_587 = arith.constant 0 : i32
    %dma_start3A_588 = arith.constant 0 : i32
    %dma_start3A_589 = tpu.memref_slice %arg4[%dma_start3A_587, %dma_start3A_588] : memref<496x128xf32, #tpu.memory_space<vmem>> -> memref<496x128xf32, #tpu.memory_space<vmem>>
    %dma_start3A_590 = arith.constant 0 : i32
    %dma_start3A_591 = tpu.memref_slice %arg2[%add3A_586, %dma_start3A_590] : memref<320000x128xf32, #tpu.memory_space<hbm>> -> memref<496x128xf32, #tpu.memory_space<hbm>>
    %dma_start3A_592 = arith.constant 0 : i32
    %dma_start3A_593 = arith.constant 0 : i32
    %dma_start3A_594 = tpu.memref_slice %arg4[%dma_start3A_592, %dma_start3A_593] : memref<496x128xf32, #tpu.memory_space<vmem>> -> memref<496x128xf32, #tpu.memory_space<vmem>>
    %dma_start3A_595 = arith.constant 0 : i32
    %dma_start3A_596 = tpu.memref_slice %arg2[%add3A_586, %dma_start3A_595] : memref<320000x128xf32, #tpu.memory_space<hbm>> -> memref<496x128xf32, #tpu.memory_space<hbm>>
    tpu.enqueue_dma source(%dma_start3A_596 : memref<496x128xf32, #tpu.memory_space<hbm>>) target(%dma_start3A_594 : memref<496x128xf32, #tpu.memory_space<vmem>>) target_semaphore(%arg6 : memref<!tpu.dma_semaphore, #tpu.memory_space<semaphore_mem>>)
    %dma_wait3A_597 = arith.constant 0 : i32
    %dma_wait3A_598 = arith.constant 0 : i32
    %dma_wait3A_599 = tpu.memref_slice %arg5[%dma_wait3A_597, %dma_wait3A_598] : memref<496x128xf32, #tpu.memory_space<vmem>> -> memref<496x128xf32, #tpu.memory_space<vmem>>
    %dma_wait3A_600 = arith.constant 0 : i32
    %dma_wait3A_601 = tpu.memref_slice %arg2[%add3A_542, %dma_wait3A_600] : memref<320000x128xf32, #tpu.memory_space<hbm>> -> memref<496x128xf32, #tpu.memory_space<hbm>>
    %dma_wait3A_602 = arith.constant 0 : i32
    %dma_wait3A_603 = arith.constant 0 : i32
    %dma_wait3A_604 = tpu.memref_slice %arg5[%dma_wait3A_602, %dma_wait3A_603] : memref<496x128xf32, #tpu.memory_space<vmem>> -> memref<496x128xf32, #tpu.memory_space<vmem>>
    %dma_wait3A_605 = arith.constant 0 : i32
    %dma_wait3A_606 = tpu.memref_slice %arg2[%add3A_542, %dma_wait3A_605] : memref<320000x128xf32, #tpu.memory_space<hbm>> -> memref<496x128xf32, #tpu.memory_space<hbm>>
    tpu.wait_dma2 semaphore(%arg7 : memref<!tpu.dma_semaphore, #tpu.memory_space<semaphore_mem>>) src(%dma_wait3A_606 : memref<496x128xf32, #tpu.memory_space<hbm>>) dst(%dma_wait3A_604 : memref<496x128xf32, #tpu.memory_space<vmem>>)
    %add3A_607 = arith.constant 6448 : i32
    %add3A_608 = arith.addi %mul3A_2, %add3A_607 : i32
    %dma_start3A_609 = arith.constant 0 : i32
    %dma_start3A_610 = arith.constant 0 : i32
    %dma_start3A_611 = tpu.memref_slice %arg5[%dma_start3A_609, %dma_start3A_610] : memref<496x128xf32, #tpu.memory_space<vmem>> -> memref<496x128xf32, #tpu.memory_space<vmem>>
    %dma_start3A_612 = arith.constant 0 : i32
    %dma_start3A_613 = tpu.memref_slice %arg3[%add3A_608, %dma_start3A_612] : memref<320000x128xf32, #tpu.memory_space<hbm>> -> memref<496x128xf32, #tpu.memory_space<hbm>>
    %dma_start3A_614 = arith.constant 0 : i32
    %dma_start3A_615 = tpu.memref_slice %arg3[%add3A_608, %dma_start3A_614] : memref<320000x128xf32, #tpu.memory_space<hbm>> -> memref<496x128xf32, #tpu.memory_space<hbm>>
    %dma_start3A_616 = arith.constant 0 : i32
    %dma_start3A_617 = arith.constant 0 : i32
    %dma_start3A_618 = tpu.memref_slice %arg5[%dma_start3A_616, %dma_start3A_617] : memref<496x128xf32, #tpu.memory_space<vmem>> -> memref<496x128xf32, #tpu.memory_space<vmem>>
    tpu.enqueue_dma source(%dma_start3A_618 : memref<496x128xf32, #tpu.memory_space<vmem>>) target(%dma_start3A_615 : memref<496x128xf32, #tpu.memory_space<hbm>>) target_semaphore(%arg9 : memref<!tpu.dma_semaphore, #tpu.memory_space<semaphore_mem>>)
    %dma_wait3A_619 = arith.constant 0 : i32
    %dma_wait3A_620 = arith.constant 0 : i32
    %dma_wait3A_621 = tpu.memref_slice %arg5[%dma_wait3A_619, %dma_wait3A_620] : memref<496x128xf32, #tpu.memory_space<vmem>> -> memref<496x128xf32, #tpu.memory_space<vmem>>
    %dma_wait3A_622 = arith.constant 0 : i32
    %dma_wait3A_623 = tpu.memref_slice %arg3[%add3A_608, %dma_wait3A_622] : memref<320000x128xf32, #tpu.memory_space<hbm>> -> memref<496x128xf32, #tpu.memory_space<hbm>>
    %dma_wait3A_624 = arith.constant 0 : i32
    %dma_wait3A_625 = tpu.memref_slice %arg3[%add3A_608, %dma_wait3A_624] : memref<320000x128xf32, #tpu.memory_space<hbm>> -> memref<496x128xf32, #tpu.memory_space<hbm>>
    %dma_wait3A_626 = arith.constant 0 : i32
    %dma_wait3A_627 = arith.constant 0 : i32
    %dma_wait3A_628 = tpu.memref_slice %arg5[%dma_wait3A_626, %dma_wait3A_627] : memref<496x128xf32, #tpu.memory_space<vmem>> -> memref<496x128xf32, #tpu.memory_space<vmem>>
    tpu.wait_dma2 semaphore(%arg9 : memref<!tpu.dma_semaphore, #tpu.memory_space<semaphore_mem>>) src(%dma_wait3A_628 : memref<496x128xf32, #tpu.memory_space<vmem>>) dst(%dma_wait3A_625 : memref<496x128xf32, #tpu.memory_space<hbm>>)
    %add3A_629 = arith.constant 7440 : i32
    %add3A_630 = arith.addi %mul3A_2, %add3A_629 : i32
    %dma_start3A_631 = arith.constant 0 : i32
    %dma_start3A_632 = arith.constant 0 : i32
    %dma_start3A_633 = tpu.memref_slice %arg5[%dma_start3A_631, %dma_start3A_632] : memref<496x128xf32, #tpu.memory_space<vmem>> -> memref<496x128xf32, #tpu.memory_space<vmem>>
    %dma_start3A_634 = arith.constant 0 : i32
    %dma_start3A_635 = tpu.memref_slice %arg2[%add3A_630, %dma_start3A_634] : memref<320000x128xf32, #tpu.memory_space<hbm>> -> memref<496x128xf32, #tpu.memory_space<hbm>>
    %dma_start3A_636 = arith.constant 0 : i32
    %dma_start3A_637 = arith.constant 0 : i32
    %dma_start3A_638 = tpu.memref_slice %arg5[%dma_start3A_636, %dma_start3A_637] : memref<496x128xf32, #tpu.memory_space<vmem>> -> memref<496x128xf32, #tpu.memory_space<vmem>>
    %dma_start3A_639 = arith.constant 0 : i32
    %dma_start3A_640 = tpu.memref_slice %arg2[%add3A_630, %dma_start3A_639] : memref<320000x128xf32, #tpu.memory_space<hbm>> -> memref<496x128xf32, #tpu.memory_space<hbm>>
    tpu.enqueue_dma source(%dma_start3A_640 : memref<496x128xf32, #tpu.memory_space<hbm>>) target(%dma_start3A_638 : memref<496x128xf32, #tpu.memory_space<vmem>>) target_semaphore(%arg7 : memref<!tpu.dma_semaphore, #tpu.memory_space<semaphore_mem>>)
    %dma_wait3A_641 = arith.constant 0 : i32
    %dma_wait3A_642 = arith.constant 0 : i32
    %dma_wait3A_643 = tpu.memref_slice %arg4[%dma_wait3A_641, %dma_wait3A_642] : memref<496x128xf32, #tpu.memory_space<vmem>> -> memref<496x128xf32, #tpu.memory_space<vmem>>
    %dma_wait3A_644 = arith.constant 0 : i32
    %dma_wait3A_645 = tpu.memref_slice %arg2[%add3A_586, %dma_wait3A_644] : memref<320000x128xf32, #tpu.memory_space<hbm>> -> memref<496x128xf32, #tpu.memory_space<hbm>>
    %dma_wait3A_646 = arith.constant 0 : i32
    %dma_wait3A_647 = arith.constant 0 : i32
    %dma_wait3A_648 = tpu.memref_slice %arg4[%dma_wait3A_646, %dma_wait3A_647] : memref<496x128xf32, #tpu.memory_space<vmem>> -> memref<496x128xf32, #tpu.memory_space<vmem>>
    %dma_wait3A_649 = arith.constant 0 : i32
    %dma_wait3A_650 = tpu.memref_slice %arg2[%add3A_586, %dma_wait3A_649] : memref<320000x128xf32, #tpu.memory_space<hbm>> -> memref<496x128xf32, #tpu.memory_space<hbm>>
    tpu.wait_dma2 semaphore(%arg6 : memref<!tpu.dma_semaphore, #tpu.memory_space<semaphore_mem>>) src(%dma_wait3A_650 : memref<496x128xf32, #tpu.memory_space<hbm>>) dst(%dma_wait3A_648 : memref<496x128xf32, #tpu.memory_space<vmem>>)
    %add3A_651 = arith.constant 6944 : i32
    %add3A_652 = arith.addi %mul3A_2, %add3A_651 : i32
    %dma_start3A_653 = arith.constant 0 : i32
    %dma_start3A_654 = arith.constant 0 : i32
    %dma_start3A_655 = tpu.memref_slice %arg4[%dma_start3A_653, %dma_start3A_654] : memref<496x128xf32, #tpu.memory_space<vmem>> -> memref<496x128xf32, #tpu.memory_space<vmem>>
    %dma_start3A_656 = arith.constant 0 : i32
    %dma_start3A_657 = tpu.memref_slice %arg3[%add3A_652, %dma_start3A_656] : memref<320000x128xf32, #tpu.memory_space<hbm>> -> memref<496x128xf32, #tpu.memory_space<hbm>>
    %dma_start3A_658 = arith.constant 0 : i32
    %dma_start3A_659 = tpu.memref_slice %arg3[%add3A_652, %dma_start3A_658] : memref<320000x128xf32, #tpu.memory_space<hbm>> -> memref<496x128xf32, #tpu.memory_space<hbm>>
    %dma_start3A_660 = arith.constant 0 : i32
    %dma_start3A_661 = arith.constant 0 : i32
    %dma_start3A_662 = tpu.memref_slice %arg4[%dma_start3A_660, %dma_start3A_661] : memref<496x128xf32, #tpu.memory_space<vmem>> -> memref<496x128xf32, #tpu.memory_space<vmem>>
    tpu.enqueue_dma source(%dma_start3A_662 : memref<496x128xf32, #tpu.memory_space<vmem>>) target(%dma_start3A_659 : memref<496x128xf32, #tpu.memory_space<hbm>>) target_semaphore(%arg8 : memref<!tpu.dma_semaphore, #tpu.memory_space<semaphore_mem>>)
    %dma_wait3A_663 = arith.constant 0 : i32
    %dma_wait3A_664 = arith.constant 0 : i32
    %dma_wait3A_665 = tpu.memref_slice %arg4[%dma_wait3A_663, %dma_wait3A_664] : memref<496x128xf32, #tpu.memory_space<vmem>> -> memref<496x128xf32, #tpu.memory_space<vmem>>
    %dma_wait3A_666 = arith.constant 0 : i32
    %dma_wait3A_667 = tpu.memref_slice %arg3[%add3A_652, %dma_wait3A_666] : memref<320000x128xf32, #tpu.memory_space<hbm>> -> memref<496x128xf32, #tpu.memory_space<hbm>>
    %dma_wait3A_668 = arith.constant 0 : i32
    %dma_wait3A_669 = tpu.memref_slice %arg3[%add3A_652, %dma_wait3A_668] : memref<320000x128xf32, #tpu.memory_space<hbm>> -> memref<496x128xf32, #tpu.memory_space<hbm>>
    %dma_wait3A_670 = arith.constant 0 : i32
    %dma_wait3A_671 = arith.constant 0 : i32
    %dma_wait3A_672 = tpu.memref_slice %arg4[%dma_wait3A_670, %dma_wait3A_671] : memref<496x128xf32, #tpu.memory_space<vmem>> -> memref<496x128xf32, #tpu.memory_space<vmem>>
    tpu.wait_dma2 semaphore(%arg8 : memref<!tpu.dma_semaphore, #tpu.memory_space<semaphore_mem>>) src(%dma_wait3A_672 : memref<496x128xf32, #tpu.memory_space<vmem>>) dst(%dma_wait3A_669 : memref<496x128xf32, #tpu.memory_space<hbm>>)
    %add3A_673 = arith.constant 7936 : i32
    %add3A_674 = arith.addi %mul3A_2, %add3A_673 : i32
    %dma_start3A_675 = arith.constant 0 : i32
    %dma_start3A_676 = arith.constant 0 : i32
    %dma_start3A_677 = tpu.memref_slice %arg4[%dma_start3A_675, %dma_start3A_676] : memref<496x128xf32, #tpu.memory_space<vmem>> -> memref<496x128xf32, #tpu.memory_space<vmem>>
    %dma_start3A_678 = arith.constant 0 : i32
    %dma_start3A_679 = tpu.memref_slice %arg2[%add3A_674, %dma_start3A_678] : memref<320000x128xf32, #tpu.memory_space<hbm>> -> memref<496x128xf32, #tpu.memory_space<hbm>>
    %dma_start3A_680 = arith.constant 0 : i32
    %dma_start3A_681 = arith.constant 0 : i32
    %dma_start3A_682 = tpu.memref_slice %arg4[%dma_start3A_680, %dma_start3A_681] : memref<496x128xf32, #tpu.memory_space<vmem>> -> memref<496x128xf32, #tpu.memory_space<vmem>>
    %dma_start3A_683 = arith.constant 0 : i32
    %dma_start3A_684 = tpu.memref_slice %arg2[%add3A_674, %dma_start3A_683] : memref<320000x128xf32, #tpu.memory_space<hbm>> -> memref<496x128xf32, #tpu.memory_space<hbm>>
    tpu.enqueue_dma source(%dma_start3A_684 : memref<496x128xf32, #tpu.memory_space<hbm>>) target(%dma_start3A_682 : memref<496x128xf32, #tpu.memory_space<vmem>>) target_semaphore(%arg6 : memref<!tpu.dma_semaphore, #tpu.memory_space<semaphore_mem>>)
    %dma_wait3A_685 = arith.constant 0 : i32
    %dma_wait3A_686 = arith.constant 0 : i32
    %dma_wait3A_687 = tpu.memref_slice %arg5[%dma_wait3A_685, %dma_wait3A_686] : memref<496x128xf32, #tpu.memory_space<vmem>> -> memref<496x128xf32, #tpu.memory_space<vmem>>
    %dma_wait3A_688 = arith.constant 0 : i32
    %dma_wait3A_689 = tpu.memref_slice %arg2[%add3A_630, %dma_wait3A_688] : memref<320000x128xf32, #tpu.memory_space<hbm>> -> memref<496x128xf32, #tpu.memory_space<hbm>>
    %dma_wait3A_690 = arith.constant 0 : i32
    %dma_wait3A_691 = arith.constant 0 : i32
    %dma_wait3A_692 = tpu.memref_slice %arg5[%dma_wait3A_690, %dma_wait3A_691] : memref<496x128xf32, #tpu.memory_space<vmem>> -> memref<496x128xf32, #tpu.memory_space<vmem>>
    %dma_wait3A_693 = arith.constant 0 : i32
    %dma_wait3A_694 = tpu.memref_slice %arg2[%add3A_630, %dma_wait3A_693] : memref<320000x128xf32, #tpu.memory_space<hbm>> -> memref<496x128xf32, #tpu.memory_space<hbm>>
    tpu.wait_dma2 semaphore(%arg7 : memref<!tpu.dma_semaphore, #tpu.memory_space<semaphore_mem>>) src(%dma_wait3A_694 : memref<496x128xf32, #tpu.memory_space<hbm>>) dst(%dma_wait3A_692 : memref<496x128xf32, #tpu.memory_space<vmem>>)
    %add3A_695 = arith.constant 7440 : i32
    %add3A_696 = arith.addi %mul3A_2, %add3A_695 : i32
    %dma_start3A_697 = arith.constant 0 : i32
    %dma_start3A_698 = arith.constant 0 : i32
    %dma_start3A_699 = tpu.memref_slice %arg5[%dma_start3A_697, %dma_start3A_698] : memref<496x128xf32, #tpu.memory_space<vmem>> -> memref<496x128xf32, #tpu.memory_space<vmem>>
    %dma_start3A_700 = arith.constant 0 : i32
    %dma_start3A_701 = tpu.memref_slice %arg3[%add3A_696, %dma_start3A_700] : memref<320000x128xf32, #tpu.memory_space<hbm>> -> memref<496x128xf32, #tpu.memory_space<hbm>>
    %dma_start3A_702 = arith.constant 0 : i32
    %dma_start3A_703 = tpu.memref_slice %arg3[%add3A_696, %dma_start3A_702] : memref<320000x128xf32, #tpu.memory_space<hbm>> -> memref<496x128xf32, #tpu.memory_space<hbm>>
    %dma_start3A_704 = arith.constant 0 : i32
    %dma_start3A_705 = arith.constant 0 : i32
    %dma_start3A_706 = tpu.memref_slice %arg5[%dma_start3A_704, %dma_start3A_705] : memref<496x128xf32, #tpu.memory_space<vmem>> -> memref<496x128xf32, #tpu.memory_space<vmem>>
    tpu.enqueue_dma source(%dma_start3A_706 : memref<496x128xf32, #tpu.memory_space<vmem>>) target(%dma_start3A_703 : memref<496x128xf32, #tpu.memory_space<hbm>>) target_semaphore(%arg9 : memref<!tpu.dma_semaphore, #tpu.memory_space<semaphore_mem>>)
    %dma_wait3A_707 = arith.constant 0 : i32
    %dma_wait3A_708 = arith.constant 0 : i32
    %dma_wait3A_709 = tpu.memref_slice %arg5[%dma_wait3A_707, %dma_wait3A_708] : memref<496x128xf32, #tpu.memory_space<vmem>> -> memref<496x128xf32, #tpu.memory_space<vmem>>
    %dma_wait3A_710 = arith.constant 0 : i32
    %dma_wait3A_711 = tpu.memref_slice %arg3[%add3A_696, %dma_wait3A_710] : memref<320000x128xf32, #tpu.memory_space<hbm>> -> memref<496x128xf32, #tpu.memory_space<hbm>>
    %dma_wait3A_712 = arith.constant 0 : i32
    %dma_wait3A_713 = tpu.memref_slice %arg3[%add3A_696, %dma_wait3A_712] : memref<320000x128xf32, #tpu.memory_space<hbm>> -> memref<496x128xf32, #tpu.memory_space<hbm>>
    %dma_wait3A_714 = arith.constant 0 : i32
    %dma_wait3A_715 = arith.constant 0 : i32
    %dma_wait3A_716 = tpu.memref_slice %arg5[%dma_wait3A_714, %dma_wait3A_715] : memref<496x128xf32, #tpu.memory_space<vmem>> -> memref<496x128xf32, #tpu.memory_space<vmem>>
    tpu.wait_dma2 semaphore(%arg9 : memref<!tpu.dma_semaphore, #tpu.memory_space<semaphore_mem>>) src(%dma_wait3A_716 : memref<496x128xf32, #tpu.memory_space<vmem>>) dst(%dma_wait3A_713 : memref<496x128xf32, #tpu.memory_space<hbm>>)
    %add3A_717 = arith.constant 8432 : i32
    %add3A_718 = arith.addi %mul3A_2, %add3A_717 : i32
    %dma_start3A_719 = arith.constant 0 : i32
    %dma_start3A_720 = arith.constant 0 : i32
    %dma_start3A_721 = tpu.memref_slice %arg5[%dma_start3A_719, %dma_start3A_720] : memref<496x128xf32, #tpu.memory_space<vmem>> -> memref<496x128xf32, #tpu.memory_space<vmem>>
    %dma_start3A_722 = arith.constant 0 : i32
    %dma_start3A_723 = tpu.memref_slice %arg2[%add3A_718, %dma_start3A_722] : memref<320000x128xf32, #tpu.memory_space<hbm>> -> memref<496x128xf32, #tpu.memory_space<hbm>>
    %dma_start3A_724 = arith.constant 0 : i32
    %dma_start3A_725 = arith.constant 0 : i32
    %dma_start3A_726 = tpu.memref_slice %arg5[%dma_start3A_724, %dma_start3A_725] : memref<496x128xf32, #tpu.memory_space<vmem>> -> memref<496x128xf32, #tpu.memory_space<vmem>>
    %dma_start3A_727 = arith.constant 0 : i32
    %dma_start3A_728 = tpu.memref_slice %arg2[%add3A_718, %dma_start3A_727] : memref<320000x128xf32, #tpu.memory_space<hbm>> -> memref<496x128xf32, #tpu.memory_space<hbm>>
    tpu.enqueue_dma source(%dma_start3A_728 : memref<496x128xf32, #tpu.memory_space<hbm>>) target(%dma_start3A_726 : memref<496x128xf32, #tpu.memory_space<vmem>>) target_semaphore(%arg7 : memref<!tpu.dma_semaphore, #tpu.memory_space<semaphore_mem>>)
    %dma_wait3A_729 = arith.constant 0 : i32
    %dma_wait3A_730 = arith.constant 0 : i32
    %dma_wait3A_731 = tpu.memref_slice %arg4[%dma_wait3A_729, %dma_wait3A_730] : memref<496x128xf32, #tpu.memory_space<vmem>> -> memref<496x128xf32, #tpu.memory_space<vmem>>
    %dma_wait3A_732 = arith.constant 0 : i32
    %dma_wait3A_733 = tpu.memref_slice %arg2[%add3A_674, %dma_wait3A_732] : memref<320000x128xf32, #tpu.memory_space<hbm>> -> memref<496x128xf32, #tpu.memory_space<hbm>>
    %dma_wait3A_734 = arith.constant 0 : i32
    %dma_wait3A_735 = arith.constant 0 : i32
    %dma_wait3A_736 = tpu.memref_slice %arg4[%dma_wait3A_734, %dma_wait3A_735] : memref<496x128xf32, #tpu.memory_space<vmem>> -> memref<496x128xf32, #tpu.memory_space<vmem>>
    %dma_wait3A_737 = arith.constant 0 : i32
    %dma_wait3A_738 = tpu.memref_slice %arg2[%add3A_674, %dma_wait3A_737] : memref<320000x128xf32, #tpu.memory_space<hbm>> -> memref<496x128xf32, #tpu.memory_space<hbm>>
    tpu.wait_dma2 semaphore(%arg6 : memref<!tpu.dma_semaphore, #tpu.memory_space<semaphore_mem>>) src(%dma_wait3A_738 : memref<496x128xf32, #tpu.memory_space<hbm>>) dst(%dma_wait3A_736 : memref<496x128xf32, #tpu.memory_space<vmem>>)
    %add3A_739 = arith.constant 7936 : i32
    %add3A_740 = arith.addi %mul3A_2, %add3A_739 : i32
    %dma_start3A_741 = arith.constant 0 : i32
    %dma_start3A_742 = arith.constant 0 : i32
    %dma_start3A_743 = tpu.memref_slice %arg4[%dma_start3A_741, %dma_start3A_742] : memref<496x128xf32, #tpu.memory_space<vmem>> -> memref<496x128xf32, #tpu.memory_space<vmem>>
    %dma_start3A_744 = arith.constant 0 : i32
    %dma_start3A_745 = tpu.memref_slice %arg3[%add3A_740, %dma_start3A_744] : memref<320000x128xf32, #tpu.memory_space<hbm>> -> memref<496x128xf32, #tpu.memory_space<hbm>>
    %dma_start3A_746 = arith.constant 0 : i32
    %dma_start3A_747 = tpu.memref_slice %arg3[%add3A_740, %dma_start3A_746] : memref<320000x128xf32, #tpu.memory_space<hbm>> -> memref<496x128xf32, #tpu.memory_space<hbm>>
    %dma_start3A_748 = arith.constant 0 : i32
    %dma_start3A_749 = arith.constant 0 : i32
    %dma_start3A_750 = tpu.memref_slice %arg4[%dma_start3A_748, %dma_start3A_749] : memref<496x128xf32, #tpu.memory_space<vmem>> -> memref<496x128xf32, #tpu.memory_space<vmem>>
    tpu.enqueue_dma source(%dma_start3A_750 : memref<496x128xf32, #tpu.memory_space<vmem>>) target(%dma_start3A_747 : memref<496x128xf32, #tpu.memory_space<hbm>>) target_semaphore(%arg8 : memref<!tpu.dma_semaphore, #tpu.memory_space<semaphore_mem>>)
    %dma_wait3A_751 = arith.constant 0 : i32
    %dma_wait3A_752 = arith.constant 0 : i32
    %dma_wait3A_753 = tpu.memref_slice %arg4[%dma_wait3A_751, %dma_wait3A_752] : memref<496x128xf32, #tpu.memory_space<vmem>> -> memref<496x128xf32, #tpu.memory_space<vmem>>
    %dma_wait3A_754 = arith.constant 0 : i32
    %dma_wait3A_755 = tpu.memref_slice %arg3[%add3A_740, %dma_wait3A_754] : memref<320000x128xf32, #tpu.memory_space<hbm>> -> memref<496x128xf32, #tpu.memory_space<hbm>>
    %dma_wait3A_756 = arith.constant 0 : i32
    %dma_wait3A_757 = tpu.memref_slice %arg3[%add3A_740, %dma_wait3A_756] : memref<320000x128xf32, #tpu.memory_space<hbm>> -> memref<496x128xf32, #tpu.memory_space<hbm>>
    %dma_wait3A_758 = arith.constant 0 : i32
    %dma_wait3A_759 = arith.constant 0 : i32
    %dma_wait3A_760 = tpu.memref_slice %arg4[%dma_wait3A_758, %dma_wait3A_759] : memref<496x128xf32, #tpu.memory_space<vmem>> -> memref<496x128xf32, #tpu.memory_space<vmem>>
    tpu.wait_dma2 semaphore(%arg8 : memref<!tpu.dma_semaphore, #tpu.memory_space<semaphore_mem>>) src(%dma_wait3A_760 : memref<496x128xf32, #tpu.memory_space<vmem>>) dst(%dma_wait3A_757 : memref<496x128xf32, #tpu.memory_space<hbm>>)
    %add3A_761 = arith.constant 8928 : i32
    %add3A_762 = arith.addi %mul3A_2, %add3A_761 : i32
    %dma_start3A_763 = arith.constant 0 : i32
    %dma_start3A_764 = arith.constant 0 : i32
    %dma_start3A_765 = tpu.memref_slice %arg4[%dma_start3A_763, %dma_start3A_764] : memref<496x128xf32, #tpu.memory_space<vmem>> -> memref<496x128xf32, #tpu.memory_space<vmem>>
    %dma_start3A_766 = arith.constant 0 : i32
    %dma_start3A_767 = tpu.memref_slice %arg2[%add3A_762, %dma_start3A_766] : memref<320000x128xf32, #tpu.memory_space<hbm>> -> memref<496x128xf32, #tpu.memory_space<hbm>>
    %dma_start3A_768 = arith.constant 0 : i32
    %dma_start3A_769 = arith.constant 0 : i32
    %dma_start3A_770 = tpu.memref_slice %arg4[%dma_start3A_768, %dma_start3A_769] : memref<496x128xf32, #tpu.memory_space<vmem>> -> memref<496x128xf32, #tpu.memory_space<vmem>>
    %dma_start3A_771 = arith.constant 0 : i32
    %dma_start3A_772 = tpu.memref_slice %arg2[%add3A_762, %dma_start3A_771] : memref<320000x128xf32, #tpu.memory_space<hbm>> -> memref<496x128xf32, #tpu.memory_space<hbm>>
    tpu.enqueue_dma source(%dma_start3A_772 : memref<496x128xf32, #tpu.memory_space<hbm>>) target(%dma_start3A_770 : memref<496x128xf32, #tpu.memory_space<vmem>>) target_semaphore(%arg6 : memref<!tpu.dma_semaphore, #tpu.memory_space<semaphore_mem>>)
    %dma_wait3A_773 = arith.constant 0 : i32
    %dma_wait3A_774 = arith.constant 0 : i32
    %dma_wait3A_775 = tpu.memref_slice %arg5[%dma_wait3A_773, %dma_wait3A_774] : memref<496x128xf32, #tpu.memory_space<vmem>> -> memref<496x128xf32, #tpu.memory_space<vmem>>
    %dma_wait3A_776 = arith.constant 0 : i32
    %dma_wait3A_777 = tpu.memref_slice %arg2[%add3A_718, %dma_wait3A_776] : memref<320000x128xf32, #tpu.memory_space<hbm>> -> memref<496x128xf32, #tpu.memory_space<hbm>>
    %dma_wait3A_778 = arith.constant 0 : i32
    %dma_wait3A_779 = arith.constant 0 : i32
    %dma_wait3A_780 = tpu.memref_slice %arg5[%dma_wait3A_778, %dma_wait3A_779] : memref<496x128xf32, #tpu.memory_space<vmem>> -> memref<496x128xf32, #tpu.memory_space<vmem>>
    %dma_wait3A_781 = arith.constant 0 : i32
    %dma_wait3A_782 = tpu.memref_slice %arg2[%add3A_718, %dma_wait3A_781] : memref<320000x128xf32, #tpu.memory_space<hbm>> -> memref<496x128xf32, #tpu.memory_space<hbm>>
    tpu.wait_dma2 semaphore(%arg7 : memref<!tpu.dma_semaphore, #tpu.memory_space<semaphore_mem>>) src(%dma_wait3A_782 : memref<496x128xf32, #tpu.memory_space<hbm>>) dst(%dma_wait3A_780 : memref<496x128xf32, #tpu.memory_space<vmem>>)
    %add3A_783 = arith.constant 8432 : i32
    %add3A_784 = arith.addi %mul3A_2, %add3A_783 : i32
    %dma_start3A_785 = arith.constant 0 : i32
    %dma_start3A_786 = arith.constant 0 : i32
    %dma_start3A_787 = tpu.memref_slice %arg5[%dma_start3A_785, %dma_start3A_786] : memref<496x128xf32, #tpu.memory_space<vmem>> -> memref<496x128xf32, #tpu.memory_space<vmem>>
    %dma_start3A_788 = arith.constant 0 : i32
    %dma_start3A_789 = tpu.memref_slice %arg3[%add3A_784, %dma_start3A_788] : memref<320000x128xf32, #tpu.memory_space<hbm>> -> memref<496x128xf32, #tpu.memory_space<hbm>>
    %dma_start3A_790 = arith.constant 0 : i32
    %dma_start3A_791 = tpu.memref_slice %arg3[%add3A_784, %dma_start3A_790] : memref<320000x128xf32, #tpu.memory_space<hbm>> -> memref<496x128xf32, #tpu.memory_space<hbm>>
    %dma_start3A_792 = arith.constant 0 : i32
    %dma_start3A_793 = arith.constant 0 : i32
    %dma_start3A_794 = tpu.memref_slice %arg5[%dma_start3A_792, %dma_start3A_793] : memref<496x128xf32, #tpu.memory_space<vmem>> -> memref<496x128xf32, #tpu.memory_space<vmem>>
    tpu.enqueue_dma source(%dma_start3A_794 : memref<496x128xf32, #tpu.memory_space<vmem>>) target(%dma_start3A_791 : memref<496x128xf32, #tpu.memory_space<hbm>>) target_semaphore(%arg9 : memref<!tpu.dma_semaphore, #tpu.memory_space<semaphore_mem>>)
    %dma_wait3A_795 = arith.constant 0 : i32
    %dma_wait3A_796 = arith.constant 0 : i32
    %dma_wait3A_797 = tpu.memref_slice %arg5[%dma_wait3A_795, %dma_wait3A_796] : memref<496x128xf32, #tpu.memory_space<vmem>> -> memref<496x128xf32, #tpu.memory_space<vmem>>
    %dma_wait3A_798 = arith.constant 0 : i32
    %dma_wait3A_799 = tpu.memref_slice %arg3[%add3A_784, %dma_wait3A_798] : memref<320000x128xf32, #tpu.memory_space<hbm>> -> memref<496x128xf32, #tpu.memory_space<hbm>>
    %dma_wait3A_800 = arith.constant 0 : i32
    %dma_wait3A_801 = tpu.memref_slice %arg3[%add3A_784, %dma_wait3A_800] : memref<320000x128xf32, #tpu.memory_space<hbm>> -> memref<496x128xf32, #tpu.memory_space<hbm>>
    %dma_wait3A_802 = arith.constant 0 : i32
    %dma_wait3A_803 = arith.constant 0 : i32
    %dma_wait3A_804 = tpu.memref_slice %arg5[%dma_wait3A_802, %dma_wait3A_803] : memref<496x128xf32, #tpu.memory_space<vmem>> -> memref<496x128xf32, #tpu.memory_space<vmem>>
    tpu.wait_dma2 semaphore(%arg9 : memref<!tpu.dma_semaphore, #tpu.memory_space<semaphore_mem>>) src(%dma_wait3A_804 : memref<496x128xf32, #tpu.memory_space<vmem>>) dst(%dma_wait3A_801 : memref<496x128xf32, #tpu.memory_space<hbm>>)
    %add3A_805 = arith.constant 9424 : i32
    %add3A_806 = arith.addi %mul3A_2, %add3A_805 : i32
    %dma_start3A_807 = arith.constant 0 : i32
    %dma_start3A_808 = arith.constant 0 : i32
    %dma_start3A_809 = tpu.memref_slice %arg5[%dma_start3A_807, %dma_start3A_808] : memref<496x128xf32, #tpu.memory_space<vmem>> -> memref<496x128xf32, #tpu.memory_space<vmem>>
    %dma_start3A_810 = arith.constant 0 : i32
    %dma_start3A_811 = tpu.memref_slice %arg2[%add3A_806, %dma_start3A_810] : memref<320000x128xf32, #tpu.memory_space<hbm>> -> memref<496x128xf32, #tpu.memory_space<hbm>>
    %dma_start3A_812 = arith.constant 0 : i32
    %dma_start3A_813 = arith.constant 0 : i32
    %dma_start3A_814 = tpu.memref_slice %arg5[%dma_start3A_812, %dma_start3A_813] : memref<496x128xf32, #tpu.memory_space<vmem>> -> memref<496x128xf32, #tpu.memory_space<vmem>>
    %dma_start3A_815 = arith.constant 0 : i32
    %dma_start3A_816 = tpu.memref_slice %arg2[%add3A_806, %dma_start3A_815] : memref<320000x128xf32, #tpu.memory_space<hbm>> -> memref<496x128xf32, #tpu.memory_space<hbm>>
    tpu.enqueue_dma source(%dma_start3A_816 : memref<496x128xf32, #tpu.memory_space<hbm>>) target(%dma_start3A_814 : memref<496x128xf32, #tpu.memory_space<vmem>>) target_semaphore(%arg7 : memref<!tpu.dma_semaphore, #tpu.memory_space<semaphore_mem>>)
    %dma_wait3A_817 = arith.constant 0 : i32
    %dma_wait3A_818 = arith.constant 0 : i32
    %dma_wait3A_819 = tpu.memref_slice %arg4[%dma_wait3A_817, %dma_wait3A_818] : memref<496x128xf32, #tpu.memory_space<vmem>> -> memref<496x128xf32, #tpu.memory_space<vmem>>
    %dma_wait3A_820 = arith.constant 0 : i32
    %dma_wait3A_821 = tpu.memref_slice %arg2[%add3A_762, %dma_wait3A_820] : memref<320000x128xf32, #tpu.memory_space<hbm>> -> memref<496x128xf32, #tpu.memory_space<hbm>>
    %dma_wait3A_822 = arith.constant 0 : i32
    %dma_wait3A_823 = arith.constant 0 : i32
    %dma_wait3A_824 = tpu.memref_slice %arg4[%dma_wait3A_822, %dma_wait3A_823] : memref<496x128xf32, #tpu.memory_space<vmem>> -> memref<496x128xf32, #tpu.memory_space<vmem>>
    %dma_wait3A_825 = arith.constant 0 : i32
    %dma_wait3A_826 = tpu.memref_slice %arg2[%add3A_762, %dma_wait3A_825] : memref<320000x128xf32, #tpu.memory_space<hbm>> -> memref<496x128xf32, #tpu.memory_space<hbm>>
    tpu.wait_dma2 semaphore(%arg6 : memref<!tpu.dma_semaphore, #tpu.memory_space<semaphore_mem>>) src(%dma_wait3A_826 : memref<496x128xf32, #tpu.memory_space<hbm>>) dst(%dma_wait3A_824 : memref<496x128xf32, #tpu.memory_space<vmem>>)
    %add3A_827 = arith.constant 8928 : i32
    %add3A_828 = arith.addi %mul3A_2, %add3A_827 : i32
    %dma_start3A_829 = arith.constant 0 : i32
    %dma_start3A_830 = arith.constant 0 : i32
    %dma_start3A_831 = tpu.memref_slice %arg4[%dma_start3A_829, %dma_start3A_830] : memref<496x128xf32, #tpu.memory_space<vmem>> -> memref<496x128xf32, #tpu.memory_space<vmem>>
    %dma_start3A_832 = arith.constant 0 : i32
    %dma_start3A_833 = tpu.memref_slice %arg3[%add3A_828, %dma_start3A_832] : memref<320000x128xf32, #tpu.memory_space<hbm>> -> memref<496x128xf32, #tpu.memory_space<hbm>>
    %dma_start3A_834 = arith.constant 0 : i32
    %dma_start3A_835 = tpu.memref_slice %arg3[%add3A_828, %dma_start3A_834] : memref<320000x128xf32, #tpu.memory_space<hbm>> -> memref<496x128xf32, #tpu.memory_space<hbm>>
    %dma_start3A_836 = arith.constant 0 : i32
    %dma_start3A_837 = arith.constant 0 : i32
    %dma_start3A_838 = tpu.memref_slice %arg4[%dma_start3A_836, %dma_start3A_837] : memref<496x128xf32, #tpu.memory_space<vmem>> -> memref<496x128xf32, #tpu.memory_space<vmem>>
    tpu.enqueue_dma source(%dma_start3A_838 : memref<496x128xf32, #tpu.memory_space<vmem>>) target(%dma_start3A_835 : memref<496x128xf32, #tpu.memory_space<hbm>>) target_semaphore(%arg8 : memref<!tpu.dma_semaphore, #tpu.memory_space<semaphore_mem>>)
    %dma_wait3A_839 = arith.constant 0 : i32
    %dma_wait3A_840 = arith.constant 0 : i32
    %dma_wait3A_841 = tpu.memref_slice %arg4[%dma_wait3A_839, %dma_wait3A_840] : memref<496x128xf32, #tpu.memory_space<vmem>> -> memref<496x128xf32, #tpu.memory_space<vmem>>
    %dma_wait3A_842 = arith.constant 0 : i32
    %dma_wait3A_843 = tpu.memref_slice %arg3[%add3A_828, %dma_wait3A_842] : memref<320000x128xf32, #tpu.memory_space<hbm>> -> memref<496x128xf32, #tpu.memory_space<hbm>>
    %dma_wait3A_844 = arith.constant 0 : i32
    %dma_wait3A_845 = tpu.memref_slice %arg3[%add3A_828, %dma_wait3A_844] : memref<320000x128xf32, #tpu.memory_space<hbm>> -> memref<496x128xf32, #tpu.memory_space<hbm>>
    %dma_wait3A_846 = arith.constant 0 : i32
    %dma_wait3A_847 = arith.constant 0 : i32
    %dma_wait3A_848 = tpu.memref_slice %arg4[%dma_wait3A_846, %dma_wait3A_847] : memref<496x128xf32, #tpu.memory_space<vmem>> -> memref<496x128xf32, #tpu.memory_space<vmem>>
    tpu.wait_dma2 semaphore(%arg8 : memref<!tpu.dma_semaphore, #tpu.memory_space<semaphore_mem>>) src(%dma_wait3A_848 : memref<496x128xf32, #tpu.memory_space<vmem>>) dst(%dma_wait3A_845 : memref<496x128xf32, #tpu.memory_space<hbm>>)
    %add3A_849 = arith.constant 9920 : i32
    %add3A_850 = arith.addi %mul3A_2, %add3A_849 : i32
    %dma_start3A_851 = arith.constant 0 : i32
    %dma_start3A_852 = arith.constant 0 : i32
    %dma_start3A_853 = tpu.memref_slice %arg4[%dma_start3A_851, %dma_start3A_852] : memref<496x128xf32, #tpu.memory_space<vmem>> -> memref<80x128xf32, #tpu.memory_space<vmem>>
    %dma_start3A_854 = arith.constant 0 : i32
    %dma_start3A_855 = tpu.memref_slice %arg2[%add3A_850, %dma_start3A_854] : memref<320000x128xf32, #tpu.memory_space<hbm>> -> memref<80x128xf32, #tpu.memory_space<hbm>>
    %dma_start3A_856 = arith.constant 0 : i32
    %dma_start3A_857 = arith.constant 0 : i32
    %dma_start3A_858 = tpu.memref_slice %arg4[%dma_start3A_856, %dma_start3A_857] : memref<496x128xf32, #tpu.memory_space<vmem>> -> memref<80x128xf32, #tpu.memory_space<vmem>>
    %dma_start3A_859 = arith.constant 0 : i32
    %dma_start3A_860 = tpu.memref_slice %arg2[%add3A_850, %dma_start3A_859] : memref<320000x128xf32, #tpu.memory_space<hbm>> -> memref<80x128xf32, #tpu.memory_space<hbm>>
    tpu.enqueue_dma source(%dma_start3A_860 : memref<80x128xf32, #tpu.memory_space<hbm>>) target(%dma_start3A_858 : memref<80x128xf32, #tpu.memory_space<vmem>>) target_semaphore(%arg6 : memref<!tpu.dma_semaphore, #tpu.memory_space<semaphore_mem>>)
    %dma_wait3A_861 = arith.constant 0 : i32
    %dma_wait3A_862 = arith.constant 0 : i32
    %dma_wait3A_863 = tpu.memref_slice %arg5[%dma_wait3A_861, %dma_wait3A_862] : memref<496x128xf32, #tpu.memory_space<vmem>> -> memref<496x128xf32, #tpu.memory_space<vmem>>
    %dma_wait3A_864 = arith.constant 0 : i32
    %dma_wait3A_865 = tpu.memref_slice %arg2[%add3A_806, %dma_wait3A_864] : memref<320000x128xf32, #tpu.memory_space<hbm>> -> memref<496x128xf32, #tpu.memory_space<hbm>>
    %dma_wait3A_866 = arith.constant 0 : i32
    %dma_wait3A_867 = arith.constant 0 : i32
    %dma_wait3A_868 = tpu.memref_slice %arg5[%dma_wait3A_866, %dma_wait3A_867] : memref<496x128xf32, #tpu.memory_space<vmem>> -> memref<496x128xf32, #tpu.memory_space<vmem>>
    %dma_wait3A_869 = arith.constant 0 : i32
    %dma_wait3A_870 = tpu.memref_slice %arg2[%add3A_806, %dma_wait3A_869] : memref<320000x128xf32, #tpu.memory_space<hbm>> -> memref<496x128xf32, #tpu.memory_space<hbm>>
    tpu.wait_dma2 semaphore(%arg7 : memref<!tpu.dma_semaphore, #tpu.memory_space<semaphore_mem>>) src(%dma_wait3A_870 : memref<496x128xf32, #tpu.memory_space<hbm>>) dst(%dma_wait3A_868 : memref<496x128xf32, #tpu.memory_space<vmem>>)
    %add3A_871 = arith.constant 9424 : i32
    %add3A_872 = arith.addi %mul3A_2, %add3A_871 : i32
    %dma_start3A_873 = arith.constant 0 : i32
    %dma_start3A_874 = arith.constant 0 : i32
    %dma_start3A_875 = tpu.memref_slice %arg5[%dma_start3A_873, %dma_start3A_874] : memref<496x128xf32, #tpu.memory_space<vmem>> -> memref<496x128xf32, #tpu.memory_space<vmem>>
    %dma_start3A_876 = arith.constant 0 : i32
    %dma_start3A_877 = tpu.memref_slice %arg3[%add3A_872, %dma_start3A_876] : memref<320000x128xf32, #tpu.memory_space<hbm>> -> memref<496x128xf32, #tpu.memory_space<hbm>>
    %dma_start3A_878 = arith.constant 0 : i32
    %dma_start3A_879 = tpu.memref_slice %arg3[%add3A_872, %dma_start3A_878] : memref<320000x128xf32, #tpu.memory_space<hbm>> -> memref<496x128xf32, #tpu.memory_space<hbm>>
    %dma_start3A_880 = arith.constant 0 : i32
    %dma_start3A_881 = arith.constant 0 : i32
    %dma_start3A_882 = tpu.memref_slice %arg5[%dma_start3A_880, %dma_start3A_881] : memref<496x128xf32, #tpu.memory_space<vmem>> -> memref<496x128xf32, #tpu.memory_space<vmem>>
    tpu.enqueue_dma source(%dma_start3A_882 : memref<496x128xf32, #tpu.memory_space<vmem>>) target(%dma_start3A_879 : memref<496x128xf32, #tpu.memory_space<hbm>>) target_semaphore(%arg9 : memref<!tpu.dma_semaphore, #tpu.memory_space<semaphore_mem>>)
    %dma_wait3A_883 = arith.constant 0 : i32
    %dma_wait3A_884 = arith.constant 0 : i32
    %dma_wait3A_885 = tpu.memref_slice %arg4[%dma_wait3A_883, %dma_wait3A_884] : memref<496x128xf32, #tpu.memory_space<vmem>> -> memref<80x128xf32, #tpu.memory_space<vmem>>
    %dma_wait3A_886 = arith.constant 0 : i32
    %dma_wait3A_887 = tpu.memref_slice %arg2[%add3A_850, %dma_wait3A_886] : memref<320000x128xf32, #tpu.memory_space<hbm>> -> memref<80x128xf32, #tpu.memory_space<hbm>>
    %dma_wait3A_888 = arith.constant 0 : i32
    %dma_wait3A_889 = arith.constant 0 : i32
    %dma_wait3A_890 = tpu.memref_slice %arg4[%dma_wait3A_888, %dma_wait3A_889] : memref<496x128xf32, #tpu.memory_space<vmem>> -> memref<80x128xf32, #tpu.memory_space<vmem>>
    %dma_wait3A_891 = arith.constant 0 : i32
    %dma_wait3A_892 = tpu.memref_slice %arg2[%add3A_850, %dma_wait3A_891] : memref<320000x128xf32, #tpu.memory_space<hbm>> -> memref<80x128xf32, #tpu.memory_space<hbm>>
    tpu.wait_dma2 semaphore(%arg6 : memref<!tpu.dma_semaphore, #tpu.memory_space<semaphore_mem>>) src(%dma_wait3A_892 : memref<80x128xf32, #tpu.memory_space<hbm>>) dst(%dma_wait3A_890 : memref<80x128xf32, #tpu.memory_space<vmem>>)
    %add3A_893 = arith.constant 9920 : i32
    %add3A_894 = arith.addi %mul3A_2, %add3A_893 : i32
    %dma_start3A_895 = arith.constant 0 : i32
    %dma_start3A_896 = arith.constant 0 : i32
    %dma_start3A_897 = tpu.memref_slice %arg4[%dma_start3A_895, %dma_start3A_896] : memref<496x128xf32, #tpu.memory_space<vmem>> -> memref<80x128xf32, #tpu.memory_space<vmem>>
    %dma_start3A_898 = arith.constant 0 : i32
    %dma_start3A_899 = tpu.memref_slice %arg3[%add3A_894, %dma_start3A_898] : memref<320000x128xf32, #tpu.memory_space<hbm>> -> memref<80x128xf32, #tpu.memory_space<hbm>>
    %dma_start3A_900 = arith.constant 0 : i32
    %dma_start3A_901 = tpu.memref_slice %arg3[%add3A_894, %dma_start3A_900] : memref<320000x128xf32, #tpu.memory_space<hbm>> -> memref<80x128xf32, #tpu.memory_space<hbm>>
    %dma_start3A_902 = arith.constant 0 : i32
    %dma_start3A_903 = arith.constant 0 : i32
    %dma_start3A_904 = tpu.memref_slice %arg4[%dma_start3A_902, %dma_start3A_903] : memref<496x128xf32, #tpu.memory_space<vmem>> -> memref<80x128xf32, #tpu.memory_space<vmem>>
    tpu.enqueue_dma source(%dma_start3A_904 : memref<80x128xf32, #tpu.memory_space<vmem>>) target(%dma_start3A_901 : memref<80x128xf32, #tpu.memory_space<hbm>>) target_semaphore(%arg8 : memref<!tpu.dma_semaphore, #tpu.memory_space<semaphore_mem>>)
    %dma_wait3A_905 = arith.constant 0 : i32
    %dma_wait3A_906 = arith.constant 0 : i32
    %dma_wait3A_907 = tpu.memref_slice %arg4[%dma_wait3A_905, %dma_wait3A_906] : memref<496x128xf32, #tpu.memory_space<vmem>> -> memref<80x128xf32, #tpu.memory_space<vmem>>
    %dma_wait3A_908 = arith.constant 0 : i32
    %dma_wait3A_909 = tpu.memref_slice %arg3[%add3A_894, %dma_wait3A_908] : memref<320000x128xf32, #tpu.memory_space<hbm>> -> memref<80x128xf32, #tpu.memory_space<hbm>>
    %dma_wait3A_910 = arith.constant 0 : i32
    %dma_wait3A_911 = tpu.memref_slice %arg3[%add3A_894, %dma_wait3A_910] : memref<320000x128xf32, #tpu.memory_space<hbm>> -> memref<80x128xf32, #tpu.memory_space<hbm>>
    %dma_wait3A_912 = arith.constant 0 : i32
    %dma_wait3A_913 = arith.constant 0 : i32
    %dma_wait3A_914 = tpu.memref_slice %arg4[%dma_wait3A_912, %dma_wait3A_913] : memref<496x128xf32, #tpu.memory_space<vmem>> -> memref<80x128xf32, #tpu.memory_space<vmem>>
    tpu.wait_dma2 semaphore(%arg8 : memref<!tpu.dma_semaphore, #tpu.memory_space<semaphore_mem>>) src(%dma_wait3A_914 : memref<80x128xf32, #tpu.memory_space<vmem>>) dst(%dma_wait3A_911 : memref<80x128xf32, #tpu.memory_space<hbm>>)
    %dma_wait3A_915 = arith.constant 0 : i32
    %dma_wait3A_916 = arith.constant 0 : i32
    %dma_wait3A_917 = tpu.memref_slice %arg5[%dma_wait3A_915, %dma_wait3A_916] : memref<496x128xf32, #tpu.memory_space<vmem>> -> memref<496x128xf32, #tpu.memory_space<vmem>>
    %dma_wait3A_918 = arith.constant 0 : i32
    %dma_wait3A_919 = tpu.memref_slice %arg3[%add3A_872, %dma_wait3A_918] : memref<320000x128xf32, #tpu.memory_space<hbm>> -> memref<496x128xf32, #tpu.memory_space<hbm>>
    %dma_wait3A_920 = arith.constant 0 : i32
    %dma_wait3A_921 = tpu.memref_slice %arg3[%add3A_872, %dma_wait3A_920] : memref<320000x128xf32, #tpu.memory_space<hbm>> -> memref<496x128xf32, #tpu.memory_space<hbm>>
    %dma_wait3A_922 = arith.constant 0 : i32
    %dma_wait3A_923 = arith.constant 0 : i32
    %dma_wait3A_924 = tpu.memref_slice %arg5[%dma_wait3A_922, %dma_wait3A_923] : memref<496x128xf32, #tpu.memory_space<vmem>> -> memref<496x128xf32, #tpu.memory_space<vmem>>
    tpu.wait_dma2 semaphore(%arg9 : memref<!tpu.dma_semaphore, #tpu.memory_space<semaphore_mem>>) src(%dma_wait3A_924 : memref<496x128xf32, #tpu.memory_space<vmem>>) dst(%dma_wait3A_921 : memref<496x128xf32, #tpu.memory_space<hbm>>)
    return
  }
}

</mosaic_0001>

<sc_bundles>
// kernel: kernel.3.cloned.1.call-start
scs
__scs_entry_jumppad:
0x0: {  	(pc) =	sbr.rel $0x88, $3  }
0x1: {  	(tag) =	ssettag $0x0;
	lr =	simm.s32 $0x1  }
0x2: {  	[smem:$0x3FA0] =	sst lr;
	_ =	strace $0xD0000000  }
0x3: {  	_ = 	snop  }
0x4: {  	_ = 	snop  }
0x5: {  	_ = 	snop  }
0x6: {  	_ = 	snop  }
0x7: {  	_ = 	snop  }
__scs_overlays_trampoline_lowered:
0x8: {  	[smem:$0x3FAF] =	sst s0  }
0x9: {  	[smem:$0x3FB0] =	sst s1  }
0xa: {  	[smem:$0x3FB1] =	sst s2  }
0xb: {  	[smem:$0x3FB2] =	sst s3  }
0xc: {  	[smem:$0x3FB3] =	sst s4  }
0xd: {  	[smem:$0x3FB4] =	sst s5  }
0xe: {  	[smem:$0x3FB5] =	sst s6  }
0xf: {  	[smem:$0x3FB6] =	sst s7  }
0x10: {  	[smem:$0x3FB7] =	sst s8  }
0x11: {  	[smem:$0x3FB8] =	sst s9;
	s0 =	simm.s32 @!p0 $0x0  }
0x12: {  	s1 =	sld [smem:$0x3F9E];
	s0 =	simm.s32 @p0 $0x1  }
0x13: {  	[smem:$0x3FB9] =	sst s0;
	s0 =	simm.s32 @!p1 $0x0  }
0x14: {  	s2 =	sld [smem:$0x3F9D];
	s0 =	simm.s32 @p1 $0x1  }
0x15: {  	[smem:$0x3FBA] =	sst s0;
	s0 =	simm.s32 @!p2 $0x0  }
0x16: {  	s3 =	sld [smem:$0x3FDB];
	s0 =	simm.s32 @p2 $0x1  }
0x17: {  	s4 =	simm.s32 $0x1BF5;
	[smem:$0x3FBC] =	sst s0  }
0x18: {  	s0 =	sld [smem:$0x3F9F];
	_ =	swait.ge [sflag:s4], $0x0  }
0x19: {  	s7 =	sld [smem:$0x3FA0]  }
0x1a: {  	s8 =	sadd.s32 $0xFFFFE003, lr  }
0x1b: {  	s9 =	sadd.s32 $0xFFFFFEF7, lr;
	s5 =	simm.s32 $0xFFFFFFFF;
	p2 =	slt.u32 s8, $0xFFFFF086  }
0x1c: {  	p1 =	slt.u32 s9, $0xF7A;
	s5 =	simm.s32 @!p2 $0x0  }
0x1d: {  	s5 =	simm.s32 @p1 $0x1;
	p0 =	seq.s32 s7, s2  }
0x1e: {  	s7 =	smul.u32 @!p0 $0xF7A, s2;
	p2 =	seq.s32 @!p0 s5, $0x0  }
0x1f: {  	s9 =	smul.u32 $0xF7A, s1;
	s8 =	simm.s32 @!p0 $0x1BF5;
	p2 =	por !p2, p0  }
0x20: {  	[sflag:s8] =	ssyncset.s32 @!p0 $0xFFFFF086;
	s6 =	sadd.s32 @!p0 s3, s7;
	s7 =	simm.s32 @!p0 $0x108  }
0x21: {  	s3 =	sadd.s32 s3, s9;
	s6 =	sadd.s32 @!p0 $0x88, s6;
	s7 =	simm.s32 @p2 $0x1082  }
0x22: {  	[simem:s7], [sflag:s8] =	dma.local @!p0 [hbm:s6], $0xF7A  }
0x23: {  	s9 =	sor.u32 $0xD0000000, s2;
	s6 =	simm.s32 $0x108;
	_ =	swait.ge @!p0 [sflag:s8], $0x0  }
0x24: {  	s3 =	sadd.s32 $0x88, s3;
	s6 =	simm.s32 @!p1 $0x1082;
	[sflag:s4] =	ssyncset.s32 $0xFFFFF086  }
0x25: {  	[simem:s6], [sflag:s4] =	dma.local [hbm:s3], $0xF7A  }
0x26: {  	[smem:$0x3FA0] =	sst s1;
	(tag) =	ssettag s2;
	_ =	strace s9  }
0x27: {  	s1 =	sld [smem:$0x3FB0]  }
0x28: {  	s2 =	sld [smem:$0x3FB1]  }
0x29: {  	s4 =	sld [smem:$0x3FB3]  }
0x2a: {  	p0 =	seq.s32 s5, $0x0;
	s5 =	sld [smem:$0x3FB4]  }
0x2b: {  	s6 =	sld [smem:$0x3FB5]  }
0x2c: {  	s7 =	sld [smem:$0x3FB6]  }
0x2d: {  	s3 =	simm.s32 $0x108;
	s8 =	sld [smem:$0x3FB7]  }
0x2e: {  	s3 =	simm.s32 @!p0 $0x1082;
	s9 =	sld [smem:$0x3FB8]  }
0x2f: {  	lr =	sadd.s32 s0, s3;
	s0 =	sld [smem:$0x3FAF]  }
0x30: {  	s3 =	sld [smem:$0x3FB2]  }
0x31: {  	[smem:$0x3FBB] =	sst s10  }
0x32: {  	s10 =	sld [smem:$0x3FB9];
	_ =	sdelay $0x3  }
0x33: {  	p0 =	seq.s32 s10, $0x1;
	s10 =	sld [smem:$0x3FBB];
	_ =	sdelay $0x3  }
0x34: {  	[smem:$0x3FBB] =	sst s10  }
0x35: {  	s10 =	sld [smem:$0x3FBA];
	_ =	sdelay $0x3  }
0x36: {  	p1 =	seq.s32 s10, $0x1;
	s10 =	sld [smem:$0x3FBB];
	_ =	sdelay $0x3  }
0x37: {  	[smem:$0x3FBB] =	sst s10  }
0x38: {  	s10 =	sld [smem:$0x3FBC]  }
0x39: {  	_ = 	snop;
	(pc) =	sbr.ind lr, $3  }
0x3a: {  	_ = 	snop  }
0x3b: {  	_ = 	snop  }
0x3c: {  	p2 =	seq.s32 s10, $0x1;
	s10 =	sld [smem:$0x3FBB]  }
0x3d: {  	_ =	shalt  }
0x3e: {  	_ =	shalt  }
0x3f: {  	_ =	shalt  }
0x40: {  	_ =	shalt  }
0x41: {  	_ =	shalt  }
0x42: {  	_ =	shalt  }
0x43: {  	_ =	shalt  }
0x44: {  	_ =	shalt  }
0x45: {  	_ =	shalt  }
0x46: {  	_ =	shalt  }
0x47: {  	_ =	shalt  }
0x48: {  	_ =	shalt  }
0x49: {  	_ =	shalt  }
0x4a: {  	_ =	shalt  }
0x4b: {  	_ =	shalt  }
0x4c: {  	_ =	shalt  }
0x4d: {  	_ =	shalt  }
0x4e: {  	_ =	shalt  }
0x4f: {  	_ =	shalt  }
0x50: {  	_ =	shalt  }
0x51: {  	_ =	shalt  }
0x52: {  	_ =	shalt  }
0x53: {  	_ =	shalt  }
0x54: {  	_ =	shalt  }
0x55: {  	_ =	shalt  }
0x56: {  	_ =	shalt  }
0x57: {  	_ =	shalt  }
0x58: {  	_ =	shalt  }
0x59: {  	_ =	shalt  }
0x5a: {  	_ =	shalt  }
0x5b: {  	_ =	shalt  }
0x5c: {  	_ =	shalt  }
0x5d: {  	_ =	shalt  }
0x5e: {  	_ =	shalt  }
0x5f: {  	_ =	shalt  }
0x60: {  	_ =	shalt  }
0x61: {  	_ =	shalt  }
0x62: {  	_ =	shalt  }
0x63: {  	_ =	shalt  }
0x64: {  	_ =	shalt  }
0x65: {  	_ =	shalt  }
0x66: {  	_ =	shalt  }
0x67: {  	_ =	shalt  }
0x68: {  	_ =	shalt  }
0x69: {  	_ =	shalt  }
0x6a: {  	_ =	shalt  }
0x6b: {  	_ =	shalt  }
0x6c: {  	_ =	shalt  }
0x6d: {  	_ =	shalt  }
0x6e: {  	_ =	shalt  }
0x6f: {  	_ =	shalt  }
0x70: {  	_ =	shalt  }
0x71: {  	_ =	shalt  }
0x72: {  	_ =	shalt  }
0x73: {  	_ =	shalt  }
0x74: {  	_ =	shalt  }
0x75: {  	_ =	shalt  }
0x76: {  	_ =	shalt  }
0x77: {  	_ =	shalt  }
0x78: {  	_ =	shalt  }
0x79: {  	_ =	shalt  }
0x7a: {  	_ =	shalt  }
0x7b: {  	_ =	shalt  }
0x7c: {  	_ =	shalt  }
0x7d: {  	_ =	shalt  }
0x7e: {  	_ =	shalt  }
0x7f: {  	_ =	shalt  }
0x80: {  	_ =	shalt  }
0x81: {  	_ =	shalt  }
0x82: {  	_ =	shalt  }
0x83: {  	_ =	shalt  }
0x84: {  	_ =	shalt  }
0x85: {  	_ =	shalt  }
0x86: {  	_ =	shalt  }
0x87: {  	_ =	shalt  }
.Lfunc_end0:
.L_simem_size_0:
called_computation_lowered:
.L_overlay_start_0:
0x88: {  	s2 =	sld [smem:$0x3FD9]  }
0x89: {  	s3 =	sld [smem:$0x3FFE];
	_ =	sdelay $0x1  }
0x8a: {  	s1 =	srdreg.scid  }
0x8b: {  	s0 =	sand.u32 $0x1, s1  }
0x8c: {  	s18 =	sshll.u32 s0, $0xA;
	s2 =	sadd.s32 s3, s2  }
0x8d: {  	s2 =	sadd.s32 s2, s18  }
0x8e: {  	[smem:$0x3FC7] =	sst s2  }
0x8f: {  	_ = 	snop  }
0x90: {  	s2 =	sld [smem:$0x3FC9]  }
0x91: {  	s19 =	sld [smem:$0x3FD0];
	(tm) =	ssettm $0x1  }
0x92: {  	s4 =	sld [smem:$0x3FFB];
	_ =	sdelay $0x3  }
0x93: {  	_ =	strace s4  }
0x94: {  	s4 =	sld [smem:$0x3FFC];
	_ =	sdelay $0x3  }
0x95: {  	_ =	strace s4  }
0x96: {  	s4 =	sld [smem:$0x3FFD];
	_ =	sdelay $0x3  }
0x97: {  	_ =	strace s4  }
0x98: {  	_ =	strace $0x8FFFFFFF  }
0x99: {  	s20 =	sld [smem:$0x3FDB];
	_ =	sdelay $0x1  }
0x9a: {  	s5 =	simm.s32 $_scs_section_size  }
0x9b: {  	s6 =	simm.s32 $_size__tile_overlayer_lowered;
	s7 =	simm.s32 $_tile_overlayer_lowered  }
0x9c: {  	s23 =	simm.s32 $0x1BFF;
	s22 =	sshll.u32 s7, $0x1;
	s4 =	sadd.s32 s5, s20  }
0x9d: {  	s8 =	simm.s32 $0x0;
	s21 =	sshll.u32 s6, $0x1;
	s6 =	sadd.s32 s22, s4  }
0x9e: {  	[timem:s8], [sflag:s23] =	dma.local [hbm:s6], s21  }
0x9f: {  	_ =	swait.ge [sflag:s23], s21  }
0xa0: {  	s5 =	ssub.s32 $0x0, s21;
	[sflag:s23] =	ssyncset.done $0x0  }
0xa1: {  	[sflag:s23] =	ssyncadd.s32 s5;
	_ =	sdelay $0x1  }
0xa2: {  	s24 =	simm.s32 $0x1B8B  }
0xa3: {  	_ =	swait.ge [sflag:s24], $0x1  }
0xa4: {  	[sflag:s24] =	ssyncset.done $0x0  }
0xa5: {  	s25 =	simm.s32 $0x1B8E;
	[sflag:s24] =	ssyncadd.s32 $0xFFFFFFFF  }
0xa6: {  	s26 =	simm.s32 $execute0_lowered;
	[smem:$0x3FD2] =	sst s25  }
0xa7: {  	s5 =	sshll.u32 s26, $0x1;
	_ =	strace $0x80000046;
	[dreg:$0x1] =	wrdreg $0xFFFFFFFF  }
0xa8: {  	s28 =	simm.s32 $_size_execute0_lowered;
	s4 =	sadd.s32 s4, s5;
	[dreg:$0x0] =	wrdreg $0x0  }
0xa9: {  	s5 =	sshll.u32 s28, $0x1;
	[dreg:$0x2] =	wrdreg s4  }
0xaa: {  	[dreg:$0x3] =	wrdreg s5  }
0xab: {  	[dreg:$0x4] =	wrdreg $0xC0  }
0xac: {  	_ =	task [dreg:s8], $0x5FFFF  }
0xad: {  	[dreg:$0x1] =	wrdreg $0xFFFFFFFF  }
0xae: {  	[dreg:$0x0] =	wrdreg $0x60  }
0xaf: {  	[dreg:$0x2] =	wrdreg s2  }
0xb0: {  	[dreg:$0x3] =	wrdreg s19  }
0xb1: {  	[dreg:$0x4] =	wrdreg $0x9  }
0xb2: {  	_ =	task.clear_ibuf [dreg:s8], $0x5FFFF;
	_ =	strace $0x90000046  }
0xb3: {  	s29 =	simm.s32 $0x9;
	_ =	strace $0x80000048  }
0xb4: {  	_ =	swait.ge [sflag:s29], $0x1  }
0xb5: {  	[sflag:s29] =	ssyncadd.s32 $0xFFFFFFFF  }
0xb6: {  	_ =	strace $0x90000048  }
0xb7: {  	_ =	sfence  }
0xb8: {  	s30 =	sld [smem:$0x0];
	_ =	sdelay $0x2  }
0xb9: {  	s31 =	sshll.u32 s1, $0xD;
	s1 =	sshrl.u32 s1, $0x2  }
0xba: {  	s3 =	sand.u32 $0x4000, s31;
	s1 =	sadd.s32 s1, s30  }
0xbb: {  	s0 =	sor.u32 s3, s0;
	s1 =	sshll.u32 s1, $0x11  }
0xbc: {  	s0 =	sor.u32 s1, s0  }
0xbd: {  	s0 =	sadd.s32 $0x8F2B, s0  }
0xbe: {  	[sflag:s0] =	ssyncadd.remote.s32 $0x1  }
0xbf: {  	_ =	sfence.sel $0xFFFF  }
0xc0: {  	[dreg:$0x0] =	wrdreg $0xFFFFFFFF;
	(pc) =	sbr.abs _section_cstart, $3  }
0xc1: {  	[dreg:$0x1] =	wrdreg $0xFFFFFFFF  }
0xc2: {  	_ =	task.clear_ibuf [dreg:s8], $0x2FFFF;
	_ =	strace $0x9FFFFFFF  }
0xc3: {  	(tm) =	ssettm $0x7FFFFFFF  }
tec
execute0_lowered:
.L_overlay_start_1:
0x0: {  	(tag) =	ssettag $0x1  }
0x1: {  	s0 =	srdreg.scid;
	s1 =	stileid.u32  }
0x2: {  	s0 =	sand.u32 $0x1, s0;
	s2 =	sshll.u32 s1, $0x1  }
0x3: {  	s4 =	sor.u32 s0, s2  }
0x4: {  	s3 =	rddreg [dreg:$0x1];
	s5 =	smul.u32 $0x138800, s4  }
0x5: {  	s1 =	rddreg [dreg:$0x0];
	s2 =	simm.s32 $0x0;
	s6 =	smul.u32 $0x27100, s4  }
0x6: {  	p0 =	por $0x0, $0x0;
	[smem:$0x7FF] =	sst s2  }
0x7: {  	_ =	strace $0x80000047;
	s4 =	sshrl.u32 s5, $0x3;
	s23 =	sadd.s32 s1, s6  }
0x8: {  	s25 =	sadd.s32 s3, s6;
	s7 =	sadd.s32 $0x1F00, s4;
	[dreg:$0x3] =	wrdreg s23  }
0x9: {  	s26 =	sadd.s32 $0x3E00, s4;
	[dreg:$0x5] =	wrdreg s25;
	s24 =	sadd.s32 s1, s7  }
0xa: {  	s0 =	ssub.s32 $0x2, s0;
	s8 =	sadd.s32 s1, s26;
	[dreg:$0x4] =	wrdreg s24  }
0xb: {  	s10 =	sadd.s32 $0x5D00, s4;
	s9 =	sadd.s32 s3, s7;
	[dreg:$0x6] =	wrdreg s8  }
0xc: {  	s6 =	simm.s32 $0x3;
	s11 =	sadd.s32 s1, s10;
	[dreg:$0x7] =	wrdreg s9  }
0xd: {  	s13 =	sadd.s32 $0x7C00, s4;
	s12 =	sadd.s32 s3, s26;
	[dreg:$0x8] =	wrdreg s11  }
0xe: {  	s5 =	simm.s32 $0x4;
	s14 =	sadd.s32 s1, s13;
	[dreg:$0x9] =	wrdreg s12  }
0xf: {  	s16 =	sadd.s32 $0x9B00, s4;
	s15 =	sadd.s32 s3, s10;
	[dreg:$0xa] =	wrdreg s14  }
0x10: {  	s19 =	sadd.s32 $0xBA00, s4;
	s17 =	sadd.s32 s1, s16;
	[dreg:$0xb] =	wrdreg s15  }
0x11: {  	s22 =	sadd.s32 $0xD900, s4;
	s18 =	sadd.s32 s3, s13;
	[dreg:$0xc] =	wrdreg s17  }
0x12: {  	s25 =	sadd.s32 $0xF800, s4;
	s20 =	sadd.s32 s1, s19;
	[dreg:$0xd] =	wrdreg s18  }
0x13: {  	s21 =	sadd.s32 s3, s16;
	s23 =	sadd.s32 s1, s22;
	[dreg:$0xe] =	wrdreg s20  }
0x14: {  	s26 =	sadd.s32 s1, s25;
	s7 =	sadd.s32 s3, s22;
	[dreg:$0xf] =	wrdreg s21  }
0x15: {  	s13 =	sadd.s32 $0x15500, s4;
	s16 =	sadd.s32 $0x1B200, s4;
	[dreg:$0x10] =	wrdreg s23  }
0x16: {  	s24 =	sadd.s32 s3, s19;
	[dreg:$0x12] =	wrdreg s26;
	s9 =	sadd.s32 $0x11700, s4  }
0x17: {  	s8 =	sshrl.u32 s0, $0x1;
	[dreg:$0x13] =	wrdreg s7;
	s11 =	sadd.s32 s3, s25  }
0x18: {  	s12 =	sadd.s32 $0x13600, s4;
	s29 =	sadd.s32 s1, s13;
	s14 =	sadd.s32 $0x17400, s4  }
0x19: {  	s15 =	sadd.s32 $0x19300, s4;
	s25 =	sadd.s32 s3, s13;
	s17 =	sadd.s32 $0x1D100, s4  }
0x1a: {  	s22 =	sadd.s32 s1, s16;
	s19 =	sadd.s32 s3, s16;
	s7 =	sadd.s32 $0x1F000, s4  }
0x1b: {  	s13 =	sadd.s32 $0x26C00, s4;
	[dreg:$0x11] =	wrdreg s24;
	s10 =	sadd.s32 s1, s9  }
0x1c: {  	s0 =	ssub.s32 s0, s8;
	[dreg:$0x15] =	wrdreg s11;
	s31 =	sadd.s32 s1, s12  }
0x1d: {  	s30 =	sadd.s32 s3, s9;
	s28 =	sadd.s32 s3, s12;
	s26 =	sadd.s32 s1, s14  }
0x1e: {  	s24 =	sadd.s32 s1, s15;
	s23 =	sadd.s32 s3, s14;
	s21 =	sadd.s32 s3, s15  }
0x1f: {  	s20 =	sadd.s32 s1, s17;
	s8 =	sadd.s32 $0x20F00, s4;
	s18 =	sadd.s32 s1, s7  }
0x20: {  	s17 =	sadd.s32 s3, s17;
	s14 =	sadd.s32 s3, s7;
	s0 =	smax.u32 s0, $0x1  }
0x21: {  	s9 =	sadd.s32 $0x22E00, s4;
	s7 =	sadd.s32 s1, s13;
	p1 =	sne.s32 s0, $0x1  }
.Ltmp0:
0x22: {  	[dreg:$0x14] =	wrdreg s10;
	s16 =	sadd.s32 s1, s8;
	(pc) =	sbr.rel @!p1 .LBB2_3-.Ltmp0, $4  }
0x23: {  	s11 =	sadd.s32 s3, s8;
	s10 =	sadd.s32 $0x24D00, s4;
	s15 =	sadd.s32 s1, s9  }
0x24: {  	s9 =	sadd.s32 s3, s9;
	s8 =	simm.s32 $0x1;
	s12 =	sadd.s32 s1, s10  }
0x25: {  	s4 =	sadd.s32 s3, s10;
	s3 =	sadd.s32 s3, s13;
	s1 =	sadd.s32 $0xFFFFFFFF, s0  }
0x26: {  	s10 =	simm.s32 $0xF800;
	s13 =	simm.s32 $0x2;
	s0 =	rddreg [dreg:$0x3]  }
0x27: {  	[dreg:$0x16] =	wrdreg s1  }
0x28: {  	[tilespmem:s2], [sflag:$0x1] =	stream.linear.gather [hbm4b:s0+s2], $0xF800, $0x38;
	[tilespmem:$0x1F000] =	vst v63  }
0x29: {  	s1 =	rddreg [dreg:$0x4]  }
0x2a: {  	[tilespmem:s10], [sflag:$0x2] =	stream.linear.gather [hbm4b:s1+s2], $0xF800, $0x38;
	[tilespmem:$0x1F000] =	vst v63  }
0x2b: {  	_ =	swait.ge [sflag:s8], $0xF800  }
0x2c: {  	[sflag:s8] =	ssyncset.done $0x0  }
0x2d: {  	s1 =	rddreg [dreg:$0x5];
	[sflag:s8] =	ssyncadd.s32 $0xFFFF0800  }
0x2e: {  	[hbm4b:s1+s2] =	stream.linear.scatter [tilespmem:s2], [sflag:$0x3], $0xF800, $0x38;
	[tilespmem:$0x1F000] =	vst v63  }
0x2f: {  	_ =	swait.ge [sflag:s6], $0xF800  }
0x30: {  	[sflag:s6] =	ssyncset.done $0x0  }
0x31: {  	s1 =	rddreg [dreg:$0x6];
	[sflag:s6] =	ssyncadd.s32 $0xFFFF0800  }
0x32: {  	[tilespmem:s2], [sflag:$0x1] =	stream.linear.gather [hbm4b:s1+s2], $0xF800, $0x38;
	[tilespmem:$0x1F000] =	vst v63  }
0x33: {  	_ =	swait.ge [sflag:s13], $0xF800  }
0x34: {  	[sflag:s13] =	ssyncset.done $0x0  }
0x35: {  	s1 =	rddreg [dreg:$0x7];
	[sflag:s13] =	ssyncadd.s32 $0xFFFF0800  }
0x36: {  	[hbm4b:s1+s2] =	stream.linear.scatter [tilespmem:s10], [sflag:$0x4], $0xF800, $0x38;
	[tilespmem:$0x1F000] =	vst v63  }
0x37: {  	_ =	swait.ge [sflag:s5], $0xF800  }
0x38: {  	[sflag:s5] =	ssyncset.done $0x0  }
0x39: {  	s1 =	rddreg [dreg:$0x8];
	[sflag:s5] =	ssyncadd.s32 $0xFFFF0800  }
0x3a: {  	[tilespmem:s10], [sflag:$0x2] =	stream.linear.gather [hbm4b:s1+s2], $0xF800, $0x38;
	[tilespmem:$0x1F000] =	vst v63  }
0x3b: {  	_ =	swait.ge [sflag:s8], $0xF800  }
0x3c: {  	[sflag:s8] =	ssyncset.done $0x0  }
0x3d: {  	s1 =	rddreg [dreg:$0x9];
	[sflag:s8] =	ssyncadd.s32 $0xFFFF0800  }
0x3e: {  	[hbm4b:s1+s2] =	stream.linear.scatter [tilespmem:s2], [sflag:$0x3], $0xF800, $0x38;
	[tilespmem:$0x1F000] =	vst v63  }
0x3f: {  	_ =	swait.ge [sflag:s6], $0xF800  }
0x40: {  	[sflag:s6] =	ssyncset.done $0x0  }
0x41: {  	s1 =	rddreg [dreg:$0xa];
	[sflag:s6] =	ssyncadd.s32 $0xFFFF0800  }
0x42: {  	[tilespmem:s2], [sflag:$0x1] =	stream.linear.gather [hbm4b:s1+s2], $0xF800, $0x38;
	[tilespmem:$0x1F000] =	vst v63  }
0x43: {  	_ =	swait.ge [sflag:s13], $0xF800  }
0x44: {  	[sflag:s13] =	ssyncset.done $0x0  }
0x45: {  	s1 =	rddreg [dreg:$0xb];
	[sflag:s13] =	ssyncadd.s32 $0xFFFF0800  }
0x46: {  	[hbm4b:s1+s2] =	stream.linear.scatter [tilespmem:s10], [sflag:$0x4], $0xF800, $0x38;
	[tilespmem:$0x1F000] =	vst v63  }
0x47: {  	_ =	swait.ge [sflag:s5], $0xF800  }
0x48: {  	[sflag:s5] =	ssyncset.done $0x0  }
0x49: {  	s1 =	rddreg [dreg:$0xc];
	[sflag:s5] =	ssyncadd.s32 $0xFFFF0800  }
0x4a: {  	[tilespmem:s10], [sflag:$0x2] =	stream.linear.gather [hbm4b:s1+s2], $0xF800, $0x38;
	[tilespmem:$0x1F000] =	vst v63  }
0x4b: {  	_ =	swait.ge [sflag:s8], $0xF800  }
0x4c: {  	[sflag:s8] =	ssyncset.done $0x0  }
0x4d: {  	s1 =	rddreg [dreg:$0xd];
	[sflag:s8] =	ssyncadd.s32 $0xFFFF0800  }
0x4e: {  	[hbm4b:s1+s2] =	stream.linear.scatter [tilespmem:s2], [sflag:$0x3], $0xF800, $0x38;
	[tilespmem:$0x1F000] =	vst v63  }
0x4f: {  	_ =	swait.ge [sflag:s6], $0xF800  }
0x50: {  	[sflag:s6] =	ssyncset.done $0x0  }
0x51: {  	s1 =	rddreg [dreg:$0xe];
	[sflag:s6] =	ssyncadd.s32 $0xFFFF0800  }
0x52: {  	[tilespmem:s2], [sflag:$0x1] =	stream.linear.gather [hbm4b:s1+s2], $0xF800, $0x38;
	[tilespmem:$0x1F000] =	vst v63  }
0x53: {  	_ =	swait.ge [sflag:s13], $0xF800  }
0x54: {  	[sflag:s13] =	ssyncset.done $0x0  }
0x55: {  	s1 =	rddreg [dreg:$0xf];
	[sflag:s13] =	ssyncadd.s32 $0xFFFF0800  }
0x56: {  	[hbm4b:s1+s2] =	stream.linear.scatter [tilespmem:s10], [sflag:$0x4], $0xF800, $0x38;
	[tilespmem:$0x1F000] =	vst v63  }
0x57: {  	_ =	swait.ge [sflag:s5], $0xF800  }
0x58: {  	[sflag:s5] =	ssyncset.done $0x0  }
0x59: {  	s1 =	rddreg [dreg:$0x10];
	[sflag:s5] =	ssyncadd.s32 $0xFFFF0800  }
0x5a: {  	[tilespmem:s10], [sflag:$0x2] =	stream.linear.gather [hbm4b:s1+s2], $0xF800, $0x38;
	[tilespmem:$0x1F000] =	vst v63  }
0x5b: {  	_ =	swait.ge [sflag:s8], $0xF800  }
0x5c: {  	[sflag:s8] =	ssyncset.done $0x0  }
0x5d: {  	s1 =	rddreg [dreg:$0x11];
	[sflag:s8] =	ssyncadd.s32 $0xFFFF0800  }
0x5e: {  	[hbm4b:s1+s2] =	stream.linear.scatter [tilespmem:s2], [sflag:$0x3], $0xF800, $0x38;
	[tilespmem:$0x1F000] =	vst v63  }
0x5f: {  	_ =	swait.ge [sflag:s6], $0xF800  }
0x60: {  	[sflag:s6] =	ssyncset.done $0x0  }
0x61: {  	s1 =	rddreg [dreg:$0x12];
	[sflag:s6] =	ssyncadd.s32 $0xFFFF0800  }
0x62: {  	[tilespmem:s2], [sflag:$0x1] =	stream.linear.gather [hbm4b:s1+s2], $0xF800, $0x38;
	[tilespmem:$0x1F000] =	vst v63  }
0x63: {  	_ =	swait.ge [sflag:s13], $0xF800  }
0x64: {  	[sflag:s13] =	ssyncset.done $0x0  }
0x65: {  	s1 =	rddreg [dreg:$0x13];
	[sflag:s13] =	ssyncadd.s32 $0xFFFF0800  }
0x66: {  	[hbm4b:s1+s2] =	stream.linear.scatter [tilespmem:s10], [sflag:$0x4], $0xF800, $0x38;
	[tilespmem:$0x1F000] =	vst v63  }
0x67: {  	_ =	swait.ge [sflag:s5], $0xF800  }
0x68: {  	[sflag:s5] =	ssyncset.done $0x0  }
0x69: {  	s1 =	rddreg [dreg:$0x14];
	[sflag:s5] =	ssyncadd.s32 $0xFFFF0800  }
0x6a: {  	[tilespmem:s10], [sflag:$0x2] =	stream.linear.gather [hbm4b:s1+s2], $0xF800, $0x38;
	[tilespmem:$0x1F000] =	vst v63  }
0x6b: {  	_ =	swait.ge [sflag:s8], $0xF800  }
0x6c: {  	[sflag:s8] =	ssyncset.done $0x0  }
0x6d: {  	s1 =	rddreg [dreg:$0x15];
	[sflag:s8] =	ssyncadd.s32 $0xFFFF0800  }
0x6e: {  	[hbm4b:s1+s2] =	stream.linear.scatter [tilespmem:s2], [sflag:$0x3], $0xF800, $0x38;
	[tilespmem:$0x1F000] =	vst v63  }
0x6f: {  	_ =	swait.ge [sflag:s6], $0xF800  }
0x70: {  	[sflag:s6] =	ssyncset.done $0x0  }
0x71: {  	[sflag:s6] =	ssyncadd.s32 $0xFFFF0800  }
0x72: {  	[tilespmem:s2], [sflag:$0x1] =	stream.linear.gather [hbm4b:s31+s2], $0xF800, $0x38;
	[tilespmem:$0x1F000] =	vst v63  }
0x73: {  	_ =	swait.ge [sflag:s13], $0xF800  }
0x74: {  	[sflag:s13] =	ssyncset.done $0x0  }
0x75: {  	[sflag:s13] =	ssyncadd.s32 $0xFFFF0800  }
0x76: {  	[hbm4b:s30+s2] =	stream.linear.scatter [tilespmem:s10], [sflag:$0x4], $0xF800, $0x38;
	[tilespmem:$0x1F000] =	vst v63  }
0x77: {  	_ =	swait.ge [sflag:s5], $0xF800  }
0x78: {  	[sflag:s5] =	ssyncset.done $0x0  }
0x79: {  	[sflag:s5] =	ssyncadd.s32 $0xFFFF0800  }
0x7a: {  	[tilespmem:s10], [sflag:$0x2] =	stream.linear.gather [hbm4b:s29+s2], $0xF800, $0x38;
	[tilespmem:$0x1F000] =	vst v63  }
0x7b: {  	_ =	swait.ge [sflag:s8], $0xF800  }
0x7c: {  	[sflag:s8] =	ssyncset.done $0x0  }
0x7d: {  	[sflag:s8] =	ssyncadd.s32 $0xFFFF0800  }
0x7e: {  	[hbm4b:s28+s2] =	stream.linear.scatter [tilespmem:s2], [sflag:$0x3], $0xF800, $0x38;
	[tilespmem:$0x1F000] =	vst v63  }
0x7f: {  	_ =	swait.ge [sflag:s6], $0xF800  }
0x80: {  	[sflag:s6] =	ssyncset.done $0x0  }
0x81: {  	[sflag:s6] =	ssyncadd.s32 $0xFFFF0800  }
0x82: {  	[tilespmem:s2], [sflag:$0x1] =	stream.linear.gather [hbm4b:s26+s2], $0xF800, $0x38;
	[tilespmem:$0x1F000] =	vst v63  }
0x83: {  	_ =	swait.ge [sflag:s13], $0xF800  }
0x84: {  	[sflag:s13] =	ssyncset.done $0x0  }
0x85: {  	[sflag:s13] =	ssyncadd.s32 $0xFFFF0800  }
0x86: {  	[hbm4b:s25+s2] =	stream.linear.scatter [tilespmem:s10], [sflag:$0x4], $0xF800, $0x38;
	[tilespmem:$0x1F000] =	vst v63  }
0x87: {  	_ =	swait.ge [sflag:s5], $0xF800  }
0x88: {  	[sflag:s5] =	ssyncset.done $0x0  }
0x89: {  	[sflag:s5] =	ssyncadd.s32 $0xFFFF0800  }
0x8a: {  	[tilespmem:s10], [sflag:$0x2] =	stream.linear.gather [hbm4b:s24+s2], $0xF800, $0x38;
	[tilespmem:$0x1F000] =	vst v63  }
0x8b: {  	_ =	swait.ge [sflag:s8], $0xF800  }
0x8c: {  	[sflag:s8] =	ssyncset.done $0x0  }
0x8d: {  	[sflag:s8] =	ssyncadd.s32 $0xFFFF0800  }
0x8e: {  	[hbm4b:s23+s2] =	stream.linear.scatter [tilespmem:s2], [sflag:$0x3], $0xF800, $0x38;
	[tilespmem:$0x1F000] =	vst v63  }
0x8f: {  	_ =	swait.ge [sflag:s6], $0xF800  }
0x90: {  	[sflag:s6] =	ssyncset.done $0x0  }
0x91: {  	[sflag:s6] =	ssyncadd.s32 $0xFFFF0800  }
0x92: {  	[tilespmem:s2], [sflag:$0x1] =	stream.linear.gather [hbm4b:s22+s2], $0xF800, $0x38;
	[tilespmem:$0x1F000] =	vst v63  }
0x93: {  	_ =	swait.ge [sflag:s13], $0xF800  }
0x94: {  	[sflag:s13] =	ssyncset.done $0x0  }
0x95: {  	[sflag:s13] =	ssyncadd.s32 $0xFFFF0800  }
0x96: {  	[hbm4b:s21+s2] =	stream.linear.scatter [tilespmem:s10], [sflag:$0x4], $0xF800, $0x38;
	[tilespmem:$0x1F000] =	vst v63  }
0x97: {  	_ =	swait.ge [sflag:s5], $0xF800  }
0x98: {  	[sflag:s5] =	ssyncset.done $0x0  }
0x99: {  	[sflag:s5] =	ssyncadd.s32 $0xFFFF0800  }
0x9a: {  	[tilespmem:s10], [sflag:$0x2] =	stream.linear.gather [hbm4b:s20+s2], $0xF800, $0x38;
	[tilespmem:$0x1F000] =	vst v63  }
0x9b: {  	_ =	swait.ge [sflag:s8], $0xF800  }
0x9c: {  	[sflag:s8] =	ssyncset.done $0x0  }
0x9d: {  	[sflag:s8] =	ssyncadd.s32 $0xFFFF0800  }
0x9e: {  	[hbm4b:s19+s2] =	stream.linear.scatter [tilespmem:s2], [sflag:$0x3], $0xF800, $0x38;
	[tilespmem:$0x1F000] =	vst v63  }
0x9f: {  	_ =	swait.ge [sflag:s6], $0xF800  }
0xa0: {  	[sflag:s6] =	ssyncset.done $0x0  }
0xa1: {  	[sflag:s6] =	ssyncadd.s32 $0xFFFF0800  }
0xa2: {  	[tilespmem:s2], [sflag:$0x1] =	stream.linear.gather [hbm4b:s18+s2], $0xF800, $0x38;
	[tilespmem:$0x1F000] =	vst v63  }
0xa3: {  	_ =	swait.ge [sflag:s13], $0xF800  }
0xa4: {  	[sflag:s13] =	ssyncset.done $0x0  }
0xa5: {  	[sflag:s13] =	ssyncadd.s32 $0xFFFF0800  }
0xa6: {  	[hbm4b:s17+s2] =	stream.linear.scatter [tilespmem:s10], [sflag:$0x4], $0xF800, $0x38;
	[tilespmem:$0x1F000] =	vst v63  }
0xa7: {  	_ =	swait.ge [sflag:s5], $0xF800  }
0xa8: {  	[sflag:s5] =	ssyncset.done $0x0  }
0xa9: {  	[sflag:s5] =	ssyncadd.s32 $0xFFFF0800  }
0xaa: {  	[tilespmem:s10], [sflag:$0x2] =	stream.linear.gather [hbm4b:s16+s2], $0xF800, $0x38;
	[tilespmem:$0x1F000] =	vst v63  }
0xab: {  	_ =	swait.ge [sflag:s8], $0xF800  }
0xac: {  	[sflag:s8] =	ssyncset.done $0x0  }
0xad: {  	[sflag:s8] =	ssyncadd.s32 $0xFFFF0800  }
0xae: {  	[hbm4b:s14+s2] =	stream.linear.scatter [tilespmem:s2], [sflag:$0x3], $0xF800, $0x38;
	[tilespmem:$0x1F000] =	vst v63  }
0xaf: {  	_ =	swait.ge [sflag:s6], $0xF800  }
0xb0: {  	[sflag:s6] =	ssyncset.done $0x0  }
0xb1: {  	[sflag:s6] =	ssyncadd.s32 $0xFFFF0800  }
0xb2: {  	[tilespmem:s2], [sflag:$0x1] =	stream.linear.gather [hbm4b:s15+s2], $0xF800, $0x38;
	[tilespmem:$0x1F000] =	vst v63  }
0xb3: {  	_ =	swait.ge [sflag:s13], $0xF800  }
0xb4: {  	[sflag:s13] =	ssyncset.done $0x0  }
0xb5: {  	[sflag:s13] =	ssyncadd.s32 $0xFFFF0800  }
0xb6: {  	[hbm4b:s11+s2] =	stream.linear.scatter [tilespmem:s10], [sflag:$0x4], $0xF800, $0x38;
	[tilespmem:$0x1F000] =	vst v63  }
0xb7: {  	_ =	swait.ge [sflag:s5], $0xF800  }
0xb8: {  	[sflag:s5] =	ssyncset.done $0x0  }
0xb9: {  	[sflag:s5] =	ssyncadd.s32 $0xFFFF0800  }
0xba: {  	[tilespmem:s10], [sflag:$0x2] =	stream.linear.gather [hbm4b:s12+s2], $0xF800, $0x38;
	[tilespmem:$0x1F000] =	vst v63  }
0xbb: {  	_ =	swait.ge [sflag:s8], $0xF800  }
0xbc: {  	[sflag:s8] =	ssyncset.done $0x0  }
0xbd: {  	[sflag:s8] =	ssyncadd.s32 $0xFFFF0800  }
0xbe: {  	[hbm4b:s9+s2] =	stream.linear.scatter [tilespmem:s2], [sflag:$0x3], $0xF800, $0x38;
	[tilespmem:$0x1F000] =	vst v63  }
0xbf: {  	_ =	swait.ge [sflag:s6], $0xF800  }
0xc0: {  	[sflag:s6] =	ssyncset.done $0x0  }
0xc1: {  	[sflag:s6] =	ssyncadd.s32 $0xFFFF0800  }
0xc2: {  	[tilespmem:s2], [sflag:$0x1] =	stream.linear.gather [hbm4b:s7+s2], $0x2800, $0x38;
	[tilespmem:$0x1F000] =	vst v63  }
0xc3: {  	_ =	swait.ge [sflag:s13], $0xF800  }
0xc4: {  	[sflag:s13] =	ssyncset.done $0x0  }
0xc5: {  	[sflag:s13] =	ssyncadd.s32 $0xFFFF0800  }
0xc6: {  	[hbm4b:s4+s2] =	stream.linear.scatter [tilespmem:s10], [sflag:$0x4], $0xF800, $0x38;
	[tilespmem:$0x1F000] =	vst v63  }
0xc7: {  	_ =	swait.ge [sflag:s8], $0x2800  }
0xc8: {  	[sflag:s8] =	ssyncset.done $0x0  }
0xc9: {  	[sflag:s8] =	ssyncadd.s32 $0xFFFFD800  }
0xca: {  	[hbm4b:s3+s2] =	stream.linear.scatter [tilespmem:s2], [sflag:$0x3], $0x2800, $0x38;
	[tilespmem:$0x1F000] =	vst v63  }
0xcb: {  	_ =	swait.ge [sflag:s6], $0x2800  }
0xcc: {  	s1 =	rddreg [dreg:$0x16]  }
0xcd: {  	p1 =	sne.s32 s1, $0x1  }
.Ltmp1:
0xce: {  	_ = 	snop;
	(pc) =	sbr.rel @!p1 .LBB2_3-.Ltmp1, $4  }
0xcf: {  	[sflag:s6] =	ssyncset.done $0x0  }
0xd0: {  	[sflag:s6] =	ssyncadd.s32 $0xFFFFD800  }
0xd1: {  	p0 =	por $0x1, $0x1;
	_ =	swait.ge [sflag:s5], $0xF800  }
0xd2: {  	s1 =	sadd.s32 $0xFFFFFFFF, s1;
	s0 =	rddreg [dreg:$0x3];
	[sflag:s5] =	ssyncset.done $0x0  }
.LBB2_2:
0xd3: {  	[sflag:s5] =	ssyncadd.s32 $0xFFFF0800;
	s5 =	simm.s32 $0xF800  }
0xd4: {  	s10 =	smov.u32 s31;
	s31 =	smov.u32 s30;
	s30 =	smov.u32 s29  }
0xd5: {  	s29 =	smov.u32 s28;
	s28 =	smov.u32 s26;
	s26 =	smov.u32 s25  }
0xd6: {  	s25 =	smov.u32 s24;
	s24 =	smov.u32 s23;
	s23 =	smov.u32 s22  }
0xd7: {  	s22 =	smov.u32 s21;
	s21 =	smov.u32 s20;
	s20 =	smov.u32 s19  }
0xd8: {  	s19 =	smov.u32 s18;
	s18 =	smov.u32 s17;
	s17 =	smov.u32 s16  }
0xd9: {  	s16 =	smov.u32 s15;
	s15 =	smov.u32 s14;
	s14 =	smov.u32 s12  }
0xda: {  	s12 =	smov.u32 s11;
	s11 =	smov.u32 s9;
	s9 =	smov.u32 s7  }
0xdb: {  	[tilespmem:s2], [sflag:$0x1] =	stream.linear.gather [hbm4b:s0+s2], $0xF800, $0x38;
	[tilespmem:$0x1F000] =	vst v63  }
0xdc: {  	s7 =	smov.u32 s4;
	s4 =	smov.u32 s3;
	s3 =	rddreg [dreg:$0x4]  }
0xdd: {  	[tilespmem:s5], [sflag:$0x2] =	stream.linear.gather [hbm4b:s3+s2], $0xF800, $0x38;
	[tilespmem:$0x1F000] =	vst v63  }
0xde: {  	s5 =	simm.s32 $0x4  }
0xdf: {  	s3 =	smov.u32 s4;
	s4 =	smov.u32 s7;
	s7 =	smov.u32 s9  }
0xe0: {  	s9 =	smov.u32 s11;
	s11 =	smov.u32 s12;
	s12 =	smov.u32 s14  }
0xe1: {  	s14 =	smov.u32 s15;
	s15 =	smov.u32 s16;
	s16 =	smov.u32 s17  }
0xe2: {  	s17 =	smov.u32 s18;
	s18 =	smov.u32 s19;
	_ =	swait.ge [sflag:s8], $0xF800  }
0xe3: {  	s19 =	smov.u32 s20;
	s20 =	smov.u32 s21;
	[sflag:s8] =	ssyncset.done $0x0  }
0xe4: {  	s21 =	smov.u32 s22;
	s0 =	rddreg [dreg:$0x5];
	[sflag:s8] =	ssyncadd.s32 $0xFFFF0800  }
0xe5: {  	[hbm4b:s0+s2] =	stream.linear.scatter [tilespmem:s2], [sflag:$0x3], $0xF800, $0x38;
	[tilespmem:$0x1F000] =	vst v63  }
0xe6: {  	s22 =	smov.u32 s23;
	s23 =	smov.u32 s24;
	_ =	swait.ge [sflag:s6], $0xF800  }
0xe7: {  	s24 =	smov.u32 s25;
	s25 =	smov.u32 s26;
	[sflag:s6] =	ssyncset.done $0x0  }
0xe8: {  	s26 =	smov.u32 s28;
	s0 =	rddreg [dreg:$0x6];
	[sflag:s6] =	ssyncadd.s32 $0xFFFF0800  }
0xe9: {  	[tilespmem:s2], [sflag:$0x1] =	stream.linear.gather [hbm4b:s0+s2], $0xF800, $0x38;
	[tilespmem:$0x1F000] =	vst v63  }
0xea: {  	s28 =	smov.u32 s29;
	s29 =	smov.u32 s30;
	_ =	swait.ge [sflag:s13], $0xF800  }
0xeb: {  	s30 =	smov.u32 s31;
	s31 =	smov.u32 s10;
	[sflag:s13] =	ssyncset.done $0x0  }
0xec: {  	s10 =	simm.s32 $0xF800;
	s0 =	rddreg [dreg:$0x7];
	[sflag:s13] =	ssyncadd.s32 $0xFFFF0800  }
0xed: {  	[hbm4b:s0+s2] =	stream.linear.scatter [tilespmem:s10], [sflag:$0x4], $0xF800, $0x38;
	[tilespmem:$0x1F000] =	vst v63  }
0xee: {  	_ =	swait.ge [sflag:s5], $0xF800  }
0xef: {  	[sflag:s5] =	ssyncset.done $0x0  }
0xf0: {  	s0 =	rddreg [dreg:$0x8];
	[sflag:s5] =	ssyncadd.s32 $0xFFFF0800  }
0xf1: {  	[tilespmem:s10], [sflag:$0x2] =	stream.linear.gather [hbm4b:s0+s2], $0xF800, $0x38;
	[tilespmem:$0x1F000] =	vst v63  }
0xf2: {  	_ =	swait.ge [sflag:s8], $0xF800  }
0xf3: {  	[sflag:s8] =	ssyncset.done $0x0  }
0xf4: {  	s0 =	rddreg [dreg:$0x9];
	[sflag:s8] =	ssyncadd.s32 $0xFFFF0800  }
0xf5: {  	[hbm4b:s0+s2] =	stream.linear.scatter [tilespmem:s2], [sflag:$0x3], $0xF800, $0x38;
	[tilespmem:$0x1F000] =	vst v63  }
0xf6: {  	_ =	swait.ge [sflag:s6], $0xF800  }
0xf7: {  	[sflag:s6] =	ssyncset.done $0x0  }
0xf8: {  	s0 =	rddreg [dreg:$0xa];
	[sflag:s6] =	ssyncadd.s32 $0xFFFF0800  }
0xf9: {  	[tilespmem:s2], [sflag:$0x1] =	stream.linear.gather [hbm4b:s0+s2], $0xF800, $0x38;
	[tilespmem:$0x1F000] =	vst v63  }
0xfa: {  	_ =	swait.ge [sflag:s13], $0xF800  }
0xfb: {  	[sflag:s13] =	ssyncset.done $0x0  }
0xfc: {  	s0 =	rddreg [dreg:$0xb];
	[sflag:s13] =	ssyncadd.s32 $0xFFFF0800  }
0xfd: {  	[hbm4b:s0+s2] =	stream.linear.scatter [tilespmem:s10], [sflag:$0x4], $0xF800, $0x38;
	[tilespmem:$0x1F000] =	vst v63  }
0xfe: {  	_ =	swait.ge [sflag:s5], $0xF800  }
0xff: {  	[sflag:s5] =	ssyncset.done $0x0  }
0x100: {  	s0 =	rddreg [dreg:$0xc];
	[sflag:s5] =	ssyncadd.s32 $0xFFFF0800  }
0x101: {  	[tilespmem:s10], [sflag:$0x2] =	stream.linear.gather [hbm4b:s0+s2], $0xF800, $0x38;
	[tilespmem:$0x1F000] =	vst v63  }
0x102: {  	_ =	swait.ge [sflag:s8], $0xF800  }
0x103: {  	[sflag:s8] =	ssyncset.done $0x0  }
0x104: {  	s0 =	rddreg [dreg:$0xd];
	[sflag:s8] =	ssyncadd.s32 $0xFFFF0800  }
0x105: {  	[hbm4b:s0+s2] =	stream.linear.scatter [tilespmem:s2], [sflag:$0x3], $0xF800, $0x38;
	[tilespmem:$0x1F000] =	vst v63  }
0x106: {  	_ =	swait.ge [sflag:s6], $0xF800  }
0x107: {  	[sflag:s6] =	ssyncset.done $0x0  }
0x108: {  	s0 =	rddreg [dreg:$0xe];
	[sflag:s6] =	ssyncadd.s32 $0xFFFF0800  }
0x109: {  	[tilespmem:s2], [sflag:$0x1] =	stream.linear.gather [hbm4b:s0+s2], $0xF800, $0x38;
	[tilespmem:$0x1F000] =	vst v63  }
0x10a: {  	_ =	swait.ge [sflag:s13], $0xF800  }
0x10b: {  	[sflag:s13] =	ssyncset.done $0x0  }
0x10c: {  	s0 =	rddreg [dreg:$0xf];
	[sflag:s13] =	ssyncadd.s32 $0xFFFF0800  }
0x10d: {  	[hbm4b:s0+s2] =	stream.linear.scatter [tilespmem:s10], [sflag:$0x4], $0xF800, $0x38;
	[tilespmem:$0x1F000] =	vst v63  }
0x10e: {  	_ =	swait.ge [sflag:s5], $0xF800  }
0x10f: {  	[sflag:s5] =	ssyncset.done $0x0  }
0x110: {  	s0 =	rddreg [dreg:$0x10];
	[sflag:s5] =	ssyncadd.s32 $0xFFFF0800  }
0x111: {  	[tilespmem:s10], [sflag:$0x2] =	stream.linear.gather [hbm4b:s0+s2], $0xF800, $0x38;
	[tilespmem:$0x1F000] =	vst v63  }
0x112: {  	_ =	swait.ge [sflag:s8], $0xF800  }
0x113: {  	[sflag:s8] =	ssyncset.done $0x0  }
0x114: {  	s0 =	rddreg [dreg:$0x11];
	[sflag:s8] =	ssyncadd.s32 $0xFFFF0800  }
0x115: {  	[hbm4b:s0+s2] =	stream.linear.scatter [tilespmem:s2], [sflag:$0x3], $0xF800, $0x38;
	[tilespmem:$0x1F000] =	vst v63  }
0x116: {  	_ =	swait.ge [sflag:s6], $0xF800  }
0x117: {  	[sflag:s6] =	ssyncset.done $0x0  }
0x118: {  	s0 =	rddreg [dreg:$0x12];
	[sflag:s6] =	ssyncadd.s32 $0xFFFF0800  }
0x119: {  	[tilespmem:s2], [sflag:$0x1] =	stream.linear.gather [hbm4b:s0+s2], $0xF800, $0x38;
	[tilespmem:$0x1F000] =	vst v63  }
0x11a: {  	_ =	swait.ge [sflag:s13], $0xF800  }
0x11b: {  	[sflag:s13] =	ssyncset.done $0x0  }
0x11c: {  	s0 =	rddreg [dreg:$0x13];
	[sflag:s13] =	ssyncadd.s32 $0xFFFF0800  }
0x11d: {  	[hbm4b:s0+s2] =	stream.linear.scatter [tilespmem:s10], [sflag:$0x4], $0xF800, $0x38;
	[tilespmem:$0x1F000] =	vst v63  }
0x11e: {  	_ =	swait.ge [sflag:s5], $0xF800  }
0x11f: {  	[sflag:s5] =	ssyncset.done $0x0  }
0x120: {  	s0 =	rddreg [dreg:$0x14];
	[sflag:s5] =	ssyncadd.s32 $0xFFFF0800  }
0x121: {  	[tilespmem:s10], [sflag:$0x2] =	stream.linear.gather [hbm4b:s0+s2], $0xF800, $0x38;
	[tilespmem:$0x1F000] =	vst v63  }
0x122: {  	_ =	swait.ge [sflag:s8], $0xF800  }
0x123: {  	[sflag:s8] =	ssyncset.done $0x0  }
0x124: {  	s0 =	rddreg [dreg:$0x15];
	[sflag:s8] =	ssyncadd.s32 $0xFFFF0800  }
0x125: {  	[hbm4b:s0+s2] =	stream.linear.scatter [tilespmem:s2], [sflag:$0x3], $0xF800, $0x38;
	[tilespmem:$0x1F000] =	vst v63  }
0x126: {  	_ =	swait.ge [sflag:s6], $0xF800  }
0x127: {  	[sflag:s6] =	ssyncset.done $0x0  }
0x128: {  	[sflag:s6] =	ssyncadd.s32 $0xFFFF0800  }
0x129: {  	[tilespmem:s2], [sflag:$0x1] =	stream.linear.gather [hbm4b:s31+s2], $0xF800, $0x38;
	[tilespmem:$0x1F000] =	vst v63  }
0x12a: {  	_ =	swait.ge [sflag:s13], $0xF800  }
0x12b: {  	[sflag:s13] =	ssyncset.done $0x0  }
0x12c: {  	[sflag:s13] =	ssyncadd.s32 $0xFFFF0800  }
0x12d: {  	[hbm4b:s30+s2] =	stream.linear.scatter [tilespmem:s10], [sflag:$0x4], $0xF800, $0x38;
	[tilespmem:$0x1F000] =	vst v63  }
0x12e: {  	_ =	swait.ge [sflag:s5], $0xF800  }
0x12f: {  	[sflag:s5] =	ssyncset.done $0x0  }
0x130: {  	[sflag:s5] =	ssyncadd.s32 $0xFFFF0800  }
0x131: {  	[tilespmem:s10], [sflag:$0x2] =	stream.linear.gather [hbm4b:s29+s2], $0xF800, $0x38;
	[tilespmem:$0x1F000] =	vst v63  }
0x132: {  	_ =	swait.ge [sflag:s8], $0xF800  }
0x133: {  	[sflag:s8] =	ssyncset.done $0x0  }
0x134: {  	[sflag:s8] =	ssyncadd.s32 $0xFFFF0800  }
0x135: {  	[hbm4b:s28+s2] =	stream.linear.scatter [tilespmem:s2], [sflag:$0x3], $0xF800, $0x38;
	[tilespmem:$0x1F000] =	vst v63  }
0x136: {  	_ =	swait.ge [sflag:s6], $0xF800  }
0x137: {  	[sflag:s6] =	ssyncset.done $0x0  }
0x138: {  	[sflag:s6] =	ssyncadd.s32 $0xFFFF0800  }
0x139: {  	[tilespmem:s2], [sflag:$0x1] =	stream.linear.gather [hbm4b:s26+s2], $0xF800, $0x38;
	[tilespmem:$0x1F000] =	vst v63  }
0x13a: {  	_ =	swait.ge [sflag:s13], $0xF800  }
0x13b: {  	[sflag:s13] =	ssyncset.done $0x0  }
0x13c: {  	[sflag:s13] =	ssyncadd.s32 $0xFFFF0800  }
0x13d: {  	[hbm4b:s25+s2] =	stream.linear.scatter [tilespmem:s10], [sflag:$0x4], $0xF800, $0x38;
	[tilespmem:$0x1F000] =	vst v63  }
0x13e: {  	_ =	swait.ge [sflag:s5], $0xF800  }
0x13f: {  	[sflag:s5] =	ssyncset.done $0x0  }
0x140: {  	[sflag:s5] =	ssyncadd.s32 $0xFFFF0800  }
0x141: {  	[tilespmem:s10], [sflag:$0x2] =	stream.linear.gather [hbm4b:s24+s2], $0xF800, $0x38;
	[tilespmem:$0x1F000] =	vst v63  }
0x142: {  	_ =	swait.ge [sflag:s8], $0xF800  }
0x143: {  	[sflag:s8] =	ssyncset.done $0x0  }
0x144: {  	[sflag:s8] =	ssyncadd.s32 $0xFFFF0800  }
0x145: {  	[hbm4b:s23+s2] =	stream.linear.scatter [tilespmem:s2], [sflag:$0x3], $0xF800, $0x38;
	[tilespmem:$0x1F000] =	vst v63  }
0x146: {  	_ =	swait.ge [sflag:s6], $0xF800  }
0x147: {  	[sflag:s6] =	ssyncset.done $0x0  }
0x148: {  	[sflag:s6] =	ssyncadd.s32 $0xFFFF0800  }
0x149: {  	[tilespmem:s2], [sflag:$0x1] =	stream.linear.gather [hbm4b:s22+s2], $0xF800, $0x38;
	[tilespmem:$0x1F000] =	vst v63  }
0x14a: {  	_ =	swait.ge [sflag:s13], $0xF800  }
0x14b: {  	[sflag:s13] =	ssyncset.done $0x0  }
0x14c: {  	[sflag:s13] =	ssyncadd.s32 $0xFFFF0800  }
0x14d: {  	[hbm4b:s21+s2] =	stream.linear.scatter [tilespmem:s10], [sflag:$0x4], $0xF800, $0x38;
	[tilespmem:$0x1F000] =	vst v63  }
0x14e: {  	_ =	swait.ge [sflag:s5], $0xF800  }
0x14f: {  	[sflag:s5] =	ssyncset.done $0x0  }
0x150: {  	[sflag:s5] =	ssyncadd.s32 $0xFFFF0800  }
0x151: {  	[tilespmem:s10], [sflag:$0x2] =	stream.linear.gather [hbm4b:s20+s2], $0xF800, $0x38;
	[tilespmem:$0x1F000] =	vst v63  }
0x152: {  	_ =	swait.ge [sflag:s8], $0xF800  }
0x153: {  	[sflag:s8] =	ssyncset.done $0x0  }
0x154: {  	[sflag:s8] =	ssyncadd.s32 $0xFFFF0800  }
0x155: {  	[hbm4b:s19+s2] =	stream.linear.scatter [tilespmem:s2], [sflag:$0x3], $0xF800, $0x38;
	[tilespmem:$0x1F000] =	vst v63  }
0x156: {  	_ =	swait.ge [sflag:s6], $0xF800  }
0x157: {  	[sflag:s6] =	ssyncset.done $0x0  }
0x158: {  	[sflag:s6] =	ssyncadd.s32 $0xFFFF0800  }
0x159: {  	[tilespmem:s2], [sflag:$0x1] =	stream.linear.gather [hbm4b:s18+s2], $0xF800, $0x38;
	[tilespmem:$0x1F000] =	vst v63  }
0x15a: {  	_ =	swait.ge [sflag:s13], $0xF800  }
0x15b: {  	[sflag:s13] =	ssyncset.done $0x0  }
0x15c: {  	[sflag:s13] =	ssyncadd.s32 $0xFFFF0800  }
0x15d: {  	[hbm4b:s17+s2] =	stream.linear.scatter [tilespmem:s10], [sflag:$0x4], $0xF800, $0x38;
	[tilespmem:$0x1F000] =	vst v63  }
0x15e: {  	_ =	swait.ge [sflag:s5], $0xF800  }
0x15f: {  	[sflag:s5] =	ssyncset.done $0x0  }
0x160: {  	[sflag:s5] =	ssyncadd.s32 $0xFFFF0800  }
0x161: {  	[tilespmem:s10], [sflag:$0x2] =	stream.linear.gather [hbm4b:s16+s2], $0xF800, $0x38;
	[tilespmem:$0x1F000] =	vst v63  }
0x162: {  	_ =	swait.ge [sflag:s8], $0xF800  }
0x163: {  	[sflag:s8] =	ssyncset.done $0x0  }
0x164: {  	[sflag:s8] =	ssyncadd.s32 $0xFFFF0800  }
0x165: {  	[hbm4b:s14+s2] =	stream.linear.scatter [tilespmem:s2], [sflag:$0x3], $0xF800, $0x38;
	[tilespmem:$0x1F000] =	vst v63  }
0x166: {  	_ =	swait.ge [sflag:s6], $0xF800  }
0x167: {  	[sflag:s6] =	ssyncset.done $0x0  }
0x168: {  	[sflag:s6] =	ssyncadd.s32 $0xFFFF0800  }
0x169: {  	[tilespmem:s2], [sflag:$0x1] =	stream.linear.gather [hbm4b:s15+s2], $0xF800, $0x38;
	[tilespmem:$0x1F000] =	vst v63  }
0x16a: {  	_ =	swait.ge [sflag:s13], $0xF800  }
0x16b: {  	[sflag:s13] =	ssyncset.done $0x0  }
0x16c: {  	[sflag:s13] =	ssyncadd.s32 $0xFFFF0800  }
0x16d: {  	[hbm4b:s11+s2] =	stream.linear.scatter [tilespmem:s10], [sflag:$0x4], $0xF800, $0x38;
	[tilespmem:$0x1F000] =	vst v63  }
0x16e: {  	_ =	swait.ge [sflag:s5], $0xF800  }
0x16f: {  	[sflag:s5] =	ssyncset.done $0x0  }
0x170: {  	[sflag:s5] =	ssyncadd.s32 $0xFFFF0800  }
0x171: {  	[tilespmem:s10], [sflag:$0x2] =	stream.linear.gather [hbm4b:s12+s2], $0xF800, $0x38;
	[tilespmem:$0x1F000] =	vst v63  }
0x172: {  	_ =	swait.ge [sflag:s8], $0xF800  }
0x173: {  	[sflag:s8] =	ssyncset.done $0x0  }
0x174: {  	[sflag:s8] =	ssyncadd.s32 $0xFFFF0800  }
0x175: {  	[hbm4b:s9+s2] =	stream.linear.scatter [tilespmem:s2], [sflag:$0x3], $0xF800, $0x38;
	[tilespmem:$0x1F000] =	vst v63  }
0x176: {  	_ =	swait.ge [sflag:s6], $0xF800  }
0x177: {  	[sflag:s6] =	ssyncset.done $0x0  }
0x178: {  	[sflag:s6] =	ssyncadd.s32 $0xFFFF0800  }
0x179: {  	[tilespmem:s2], [sflag:$0x1] =	stream.linear.gather [hbm4b:s7+s2], $0x2800, $0x38;
	[tilespmem:$0x1F000] =	vst v63  }
0x17a: {  	_ =	swait.ge [sflag:s13], $0xF800  }
0x17b: {  	[sflag:s13] =	ssyncset.done $0x0  }
0x17c: {  	[sflag:s13] =	ssyncadd.s32 $0xFFFF0800  }
0x17d: {  	[hbm4b:s4+s2] =	stream.linear.scatter [tilespmem:s10], [sflag:$0x4], $0xF800, $0x38;
	[tilespmem:$0x1F000] =	vst v63  }
0x17e: {  	_ =	swait.ge [sflag:s8], $0x2800  }
0x17f: {  	[sflag:s8] =	ssyncset.done $0x0  }
0x180: {  	p1 =	sne.s32 s1, $0x1;
	[sflag:s8] =	ssyncadd.s32 $0xFFFFD800  }
0x181: {  	[hbm4b:s3+s2] =	stream.linear.scatter [tilespmem:s2], [sflag:$0x3], $0x2800, $0x38;
	[tilespmem:$0x1F000] =	vst v63  }
.Ltmp2:
0x182: {  	_ =	swait.ge [sflag:s6], $0x2800;
	(pc) =	sbr.rel @p1 .LBB2_2-.Ltmp2, $4  }
0x183: {  	[sflag:s6] =	ssyncset.done $0x0  }
0x184: {  	[sflag:s6] =	ssyncadd.s32 $0xFFFFD800  }
0x185: {  	_ =	swait.ge [sflag:s5], $0xF800  }
0x186: {  	s1 =	sadd.s32 $0xFFFFFFFF, s1;
	s0 =	rddreg [dreg:$0x3];
	[sflag:s5] =	ssyncset.done $0x0  }
.LBB2_3:
0x187: {  	[sflag:s5] =	ssyncadd.s32 @p0 $0xFFFF0800  }
0x188: {  	[tilespmem:s2], [sflag:$0x1] =	stream.linear.gather [hbm4b:s0+s2], $0xF800, $0x38;
	[tilespmem:$0x1F000] =	vst v63  }
0x189: {  	s1 =	rddreg [dreg:$0x4]  }
0x18a: {  	[tilespmem:s10], [sflag:$0x2] =	stream.linear.gather [hbm4b:s1+s2], $0xF800, $0x38;
	[tilespmem:$0x1F000] =	vst v63  }
0x18b: {  	_ =	swait.ge [sflag:s8], $0xF800  }
0x18c: {  	[sflag:s8] =	ssyncset.done $0x0  }
0x18d: {  	s1 =	rddreg [dreg:$0x5];
	[sflag:s8] =	ssyncadd.s32 $0xFFFF0800  }
0x18e: {  	[hbm4b:s1+s2] =	stream.linear.scatter [tilespmem:s2], [sflag:$0x3], $0xF800, $0x38;
	[tilespmem:$0x1F000] =	vst v63  }
0x18f: {  	_ =	swait.ge [sflag:s6], $0xF800  }
0x190: {  	[sflag:s6] =	ssyncset.done $0x0  }
0x191: {  	s1 =	rddreg [dreg:$0x6];
	[sflag:s6] =	ssyncadd.s32 $0xFFFF0800  }
0x192: {  	[tilespmem:s2], [sflag:$0x1] =	stream.linear.gather [hbm4b:s1+s2], $0xF800, $0x38;
	[tilespmem:$0x1F000] =	vst v63  }
0x193: {  	_ =	swait.ge [sflag:s13], $0xF800  }
0x194: {  	[sflag:s13] =	ssyncset.done $0x0  }
0x195: {  	s1 =	rddreg [dreg:$0x7];
	[sflag:s13] =	ssyncadd.s32 $0xFFFF0800  }
0x196: {  	[hbm4b:s1+s2] =	stream.linear.scatter [tilespmem:s10], [sflag:$0x4], $0xF800, $0x38;
	[tilespmem:$0x1F000] =	vst v63  }
0x197: {  	_ =	swait.ge [sflag:s5], $0xF800  }
0x198: {  	[sflag:s5] =	ssyncset.done $0x0  }
0x199: {  	s1 =	rddreg [dreg:$0x8];
	[sflag:s5] =	ssyncadd.s32 $0xFFFF0800  }
0x19a: {  	[tilespmem:s10], [sflag:$0x2] =	stream.linear.gather [hbm4b:s1+s2], $0xF800, $0x38;
	[tilespmem:$0x1F000] =	vst v63  }
0x19b: {  	_ =	swait.ge [sflag:s8], $0xF800  }
0x19c: {  	[sflag:s8] =	ssyncset.done $0x0  }
0x19d: {  	s1 =	rddreg [dreg:$0x9];
	[sflag:s8] =	ssyncadd.s32 $0xFFFF0800  }
0x19e: {  	[hbm4b:s1+s2] =	stream.linear.scatter [tilespmem:s2], [sflag:$0x3], $0xF800, $0x38;
	[tilespmem:$0x1F000] =	vst v63  }
0x19f: {  	_ =	swait.ge [sflag:s6], $0xF800  }
0x1a0: {  	[sflag:s6] =	ssyncset.done $0x0  }
0x1a1: {  	s1 =	rddreg [dreg:$0xa];
	[sflag:s6] =	ssyncadd.s32 $0xFFFF0800  }
0x1a2: {  	[tilespmem:s2], [sflag:$0x1] =	stream.linear.gather [hbm4b:s1+s2], $0xF800, $0x38;
	[tilespmem:$0x1F000] =	vst v63  }
0x1a3: {  	_ =	swait.ge [sflag:s13], $0xF800  }
0x1a4: {  	[sflag:s13] =	ssyncset.done $0x0  }
0x1a5: {  	s1 =	rddreg [dreg:$0xb];
	[sflag:s13] =	ssyncadd.s32 $0xFFFF0800  }
0x1a6: {  	[hbm4b:s1+s2] =	stream.linear.scatter [tilespmem:s10], [sflag:$0x4], $0xF800, $0x38;
	[tilespmem:$0x1F000] =	vst v63  }
0x1a7: {  	_ =	swait.ge [sflag:s5], $0xF800  }
0x1a8: {  	[sflag:s5] =	ssyncset.done $0x0  }
0x1a9: {  	s1 =	rddreg [dreg:$0xc];
	[sflag:s5] =	ssyncadd.s32 $0xFFFF0800  }
0x1aa: {  	[tilespmem:s10], [sflag:$0x2] =	stream.linear.gather [hbm4b:s1+s2], $0xF800, $0x38;
	[tilespmem:$0x1F000] =	vst v63  }
0x1ab: {  	_ =	swait.ge [sflag:s8], $0xF800  }
0x1ac: {  	[sflag:s8] =	ssyncset.done $0x0  }
0x1ad: {  	s1 =	rddreg [dreg:$0xd];
	[sflag:s8] =	ssyncadd.s32 $0xFFFF0800  }
0x1ae: {  	[hbm4b:s1+s2] =	stream.linear.scatter [tilespmem:s2], [sflag:$0x3], $0xF800, $0x38;
	[tilespmem:$0x1F000] =	vst v63  }
0x1af: {  	_ =	swait.ge [sflag:s6], $0xF800  }
0x1b0: {  	[sflag:s6] =	ssyncset.done $0x0  }
0x1b1: {  	s1 =	rddreg [dreg:$0xe];
	[sflag:s6] =	ssyncadd.s32 $0xFFFF0800  }
0x1b2: {  	[tilespmem:s2], [sflag:$0x1] =	stream.linear.gather [hbm4b:s1+s2], $0xF800, $0x38;
	[tilespmem:$0x1F000] =	vst v63  }
0x1b3: {  	_ =	swait.ge [sflag:s13], $0xF800  }
0x1b4: {  	[sflag:s13] =	ssyncset.done $0x0  }
0x1b5: {  	s1 =	rddreg [dreg:$0xf];
	[sflag:s13] =	ssyncadd.s32 $0xFFFF0800  }
0x1b6: {  	[hbm4b:s1+s2] =	stream.linear.scatter [tilespmem:s10], [sflag:$0x4], $0xF800, $0x38;
	[tilespmem:$0x1F000] =	vst v63  }
0x1b7: {  	_ =	swait.ge [sflag:s5], $0xF800  }
0x1b8: {  	[sflag:s5] =	ssyncset.done $0x0  }
0x1b9: {  	s1 =	rddreg [dreg:$0x10];
	[sflag:s5] =	ssyncadd.s32 $0xFFFF0800  }
0x1ba: {  	[tilespmem:s10], [sflag:$0x2] =	stream.linear.gather [hbm4b:s1+s2], $0xF800, $0x38;
	[tilespmem:$0x1F000] =	vst v63  }
0x1bb: {  	_ =	swait.ge [sflag:s8], $0xF800  }
0x1bc: {  	[sflag:s8] =	ssyncset.done $0x0  }
0x1bd: {  	s1 =	rddreg [dreg:$0x11];
	[sflag:s8] =	ssyncadd.s32 $0xFFFF0800  }
0x1be: {  	[hbm4b:s1+s2] =	stream.linear.scatter [tilespmem:s2], [sflag:$0x3], $0xF800, $0x38;
	[tilespmem:$0x1F000] =	vst v63  }
0x1bf: {  	_ =	swait.ge [sflag:s6], $0xF800  }
0x1c0: {  	[sflag:s6] =	ssyncset.done $0x0  }
0x1c1: {  	s1 =	rddreg [dreg:$0x12];
	[sflag:s6] =	ssyncadd.s32 $0xFFFF0800  }
0x1c2: {  	[tilespmem:s2], [sflag:$0x1] =	stream.linear.gather [hbm4b:s1+s2], $0xF800, $0x38;
	[tilespmem:$0x1F000] =	vst v63  }
0x1c3: {  	_ =	swait.ge [sflag:s13], $0xF800  }
0x1c4: {  	[sflag:s13] =	ssyncset.done $0x0  }
0x1c5: {  	s1 =	rddreg [dreg:$0x13];
	[sflag:s13] =	ssyncadd.s32 $0xFFFF0800  }
0x1c6: {  	[hbm4b:s1+s2] =	stream.linear.scatter [tilespmem:s10], [sflag:$0x4], $0xF800, $0x38;
	[tilespmem:$0x1F000] =	vst v63  }
0x1c7: {  	_ =	swait.ge [sflag:s5], $0xF800  }
0x1c8: {  	[sflag:s5] =	ssyncset.done $0x0  }
0x1c9: {  	s1 =	rddreg [dreg:$0x14];
	[sflag:s5] =	ssyncadd.s32 $0xFFFF0800  }
0x1ca: {  	[tilespmem:s10], [sflag:$0x2] =	stream.linear.gather [hbm4b:s1+s2], $0xF800, $0x38;
	[tilespmem:$0x1F000] =	vst v63  }
0x1cb: {  	_ =	swait.ge [sflag:s8], $0xF800  }
0x1cc: {  	[sflag:s8] =	ssyncset.done $0x0  }
0x1cd: {  	s1 =	rddreg [dreg:$0x15];
	[sflag:s8] =	ssyncadd.s32 $0xFFFF0800  }
0x1ce: {  	[hbm4b:s1+s2] =	stream.linear.scatter [tilespmem:s2], [sflag:$0x3], $0xF800, $0x38;
	[tilespmem:$0x1F000] =	vst v63  }
0x1cf: {  	_ =	swait.ge [sflag:s6], $0xF800  }
0x1d0: {  	[sflag:s6] =	ssyncset.done $0x0  }
0x1d1: {  	[sflag:s6] =	ssyncadd.s32 $0xFFFF0800  }
0x1d2: {  	[tilespmem:s2], [sflag:$0x1] =	stream.linear.gather [hbm4b:s31+s2], $0xF800, $0x38;
	[tilespmem:$0x1F000] =	vst v63  }
0x1d3: {  	_ =	swait.ge [sflag:s13], $0xF800  }
0x1d4: {  	[sflag:s13] =	ssyncset.done $0x0  }
0x1d5: {  	[sflag:s13] =	ssyncadd.s32 $0xFFFF0800  }
0x1d6: {  	[hbm4b:s30+s2] =	stream.linear.scatter [tilespmem:s10], [sflag:$0x4], $0xF800, $0x38;
	[tilespmem:$0x1F000] =	vst v63  }
0x1d7: {  	_ =	swait.ge [sflag:s5], $0xF800  }
0x1d8: {  	[sflag:s5] =	ssyncset.done $0x0  }
0x1d9: {  	[sflag:s5] =	ssyncadd.s32 $0xFFFF0800  }
0x1da: {  	[tilespmem:s10], [sflag:$0x2] =	stream.linear.gather [hbm4b:s29+s2], $0xF800, $0x38;
	[tilespmem:$0x1F000] =	vst v63  }
0x1db: {  	_ =	swait.ge [sflag:s8], $0xF800  }
0x1dc: {  	[sflag:s8] =	ssyncset.done $0x0  }
0x1dd: {  	[sflag:s8] =	ssyncadd.s32 $0xFFFF0800  }
0x1de: {  	[hbm4b:s28+s2] =	stream.linear.scatter [tilespmem:s2], [sflag:$0x3], $0xF800, $0x38;
	[tilespmem:$0x1F000] =	vst v63  }
0x1df: {  	_ =	swait.ge [sflag:s6], $0xF800  }
0x1e0: {  	[sflag:s6] =	ssyncset.done $0x0  }
0x1e1: {  	[sflag:s6] =	ssyncadd.s32 $0xFFFF0800  }
0x1e2: {  	[tilespmem:s2], [sflag:$0x1] =	stream.linear.gather [hbm4b:s26+s2], $0xF800, $0x38;
	[tilespmem:$0x1F000] =	vst v63  }
0x1e3: {  	_ =	swait.ge [sflag:s13], $0xF800  }
0x1e4: {  	[sflag:s13] =	ssyncset.done $0x0  }
0x1e5: {  	[sflag:s13] =	ssyncadd.s32 $0xFFFF0800  }
0x1e6: {  	[hbm4b:s25+s2] =	stream.linear.scatter [tilespmem:s10], [sflag:$0x4], $0xF800, $0x38;
	[tilespmem:$0x1F000] =	vst v63  }
0x1e7: {  	_ =	swait.ge [sflag:s5], $0xF800  }
0x1e8: {  	[sflag:s5] =	ssyncset.done $0x0  }
0x1e9: {  	[sflag:s5] =	ssyncadd.s32 $0xFFFF0800  }
0x1ea: {  	[tilespmem:s10], [sflag:$0x2] =	stream.linear.gather [hbm4b:s24+s2], $0xF800, $0x38;
	[tilespmem:$0x1F000] =	vst v63  }
0x1eb: {  	_ =	swait.ge [sflag:s8], $0xF800  }
0x1ec: {  	[sflag:s8] =	ssyncset.done $0x0  }
0x1ed: {  	[sflag:s8] =	ssyncadd.s32 $0xFFFF0800  }
0x1ee: {  	[hbm4b:s23+s2] =	stream.linear.scatter [tilespmem:s2], [sflag:$0x3], $0xF800, $0x38;
	[tilespmem:$0x1F000] =	vst v63  }
0x1ef: {  	_ =	swait.ge [sflag:s6], $0xF800  }
0x1f0: {  	[sflag:s6] =	ssyncset.done $0x0  }
0x1f1: {  	[sflag:s6] =	ssyncadd.s32 $0xFFFF0800  }
0x1f2: {  	[tilespmem:s2], [sflag:$0x1] =	stream.linear.gather [hbm4b:s22+s2], $0xF800, $0x38;
	[tilespmem:$0x1F000] =	vst v63  }
0x1f3: {  	_ =	swait.ge [sflag:s13], $0xF800  }
0x1f4: {  	[sflag:s13] =	ssyncset.done $0x0  }
0x1f5: {  	[sflag:s13] =	ssyncadd.s32 $0xFFFF0800  }
0x1f6: {  	[hbm4b:s21+s2] =	stream.linear.scatter [tilespmem:s10], [sflag:$0x4], $0xF800, $0x38;
	[tilespmem:$0x1F000] =	vst v63  }
0x1f7: {  	_ =	swait.ge [sflag:s5], $0xF800  }
0x1f8: {  	[sflag:s5] =	ssyncset.done $0x0  }
0x1f9: {  	[sflag:s5] =	ssyncadd.s32 $0xFFFF0800  }
0x1fa: {  	[tilespmem:s10], [sflag:$0x2] =	stream.linear.gather [hbm4b:s20+s2], $0xF800, $0x38;
	[tilespmem:$0x1F000] =	vst v63  }
0x1fb: {  	_ =	swait.ge [sflag:s8], $0xF800  }
0x1fc: {  	[sflag:s8] =	ssyncset.done $0x0  }
0x1fd: {  	[sflag:s8] =	ssyncadd.s32 $0xFFFF0800  }
0x1fe: {  	[hbm4b:s19+s2] =	stream.linear.scatter [tilespmem:s2], [sflag:$0x3], $0xF800, $0x38;
	[tilespmem:$0x1F000] =	vst v63  }
0x1ff: {  	_ =	swait.ge [sflag:s6], $0xF800  }
0x200: {  	[sflag:s6] =	ssyncset.done $0x0  }
0x201: {  	[sflag:s6] =	ssyncadd.s32 $0xFFFF0800  }
0x202: {  	[tilespmem:s2], [sflag:$0x1] =	stream.linear.gather [hbm4b:s18+s2], $0xF800, $0x38;
	[tilespmem:$0x1F000] =	vst v63  }
0x203: {  	_ =	swait.ge [sflag:s13], $0xF800  }
0x204: {  	[sflag:s13] =	ssyncset.done $0x0  }
0x205: {  	[sflag:s13] =	ssyncadd.s32 $0xFFFF0800  }
0x206: {  	[hbm4b:s17+s2] =	stream.linear.scatter [tilespmem:s10], [sflag:$0x4], $0xF800, $0x38;
	[tilespmem:$0x1F000] =	vst v63  }
0x207: {  	_ =	swait.ge [sflag:s5], $0xF800  }
0x208: {  	[sflag:s5] =	ssyncset.done $0x0  }
0x209: {  	[sflag:s5] =	ssyncadd.s32 $0xFFFF0800  }
0x20a: {  	[tilespmem:s10], [sflag:$0x2] =	stream.linear.gather [hbm4b:s16+s2], $0xF800, $0x38;
	[tilespmem:$0x1F000] =	vst v63  }
0x20b: {  	_ =	swait.ge [sflag:s8], $0xF800  }
0x20c: {  	[sflag:s8] =	ssyncset.done $0x0  }
0x20d: {  	[sflag:s8] =	ssyncadd.s32 $0xFFFF0800  }
0x20e: {  	[hbm4b:s14+s2] =	stream.linear.scatter [tilespmem:s2], [sflag:$0x3], $0xF800, $0x38;
	[tilespmem:$0x1F000] =	vst v63  }
0x20f: {  	_ =	swait.ge [sflag:s6], $0xF800  }
0x210: {  	[sflag:s6] =	ssyncset.done $0x0  }
0x211: {  	[sflag:s6] =	ssyncadd.s32 $0xFFFF0800  }
0x212: {  	[tilespmem:s2], [sflag:$0x1] =	stream.linear.gather [hbm4b:s15+s2], $0xF800, $0x38;
	[tilespmem:$0x1F000] =	vst v63  }
0x213: {  	_ =	swait.ge [sflag:s13], $0xF800  }
0x214: {  	[sflag:s13] =	ssyncset.done $0x0  }
0x215: {  	[sflag:s13] =	ssyncadd.s32 $0xFFFF0800  }
0x216: {  	[hbm4b:s11+s2] =	stream.linear.scatter [tilespmem:s10], [sflag:$0x4], $0xF800, $0x38;
	[tilespmem:$0x1F000] =	vst v63  }
0x217: {  	_ =	swait.ge [sflag:s5], $0xF800  }
0x218: {  	[sflag:s5] =	ssyncset.done $0x0  }
0x219: {  	[sflag:s5] =	ssyncadd.s32 $0xFFFF0800  }
0x21a: {  	[tilespmem:s10], [sflag:$0x2] =	stream.linear.gather [hbm4b:s12+s2], $0xF800, $0x38;
	[tilespmem:$0x1F000] =	vst v63  }
0x21b: {  	_ =	swait.ge [sflag:s8], $0xF800  }
0x21c: {  	[sflag:s8] =	ssyncset.done $0x0  }
0x21d: {  	[sflag:s8] =	ssyncadd.s32 $0xFFFF0800  }
0x21e: {  	[hbm4b:s9+s2] =	stream.linear.scatter [tilespmem:s2], [sflag:$0x3], $0xF800, $0x38;
	[tilespmem:$0x1F000] =	vst v63  }
0x21f: {  	_ =	swait.ge [sflag:s6], $0xF800  }
0x220: {  	[sflag:s6] =	ssyncset.done $0x0  }
0x221: {  	[sflag:s6] =	ssyncadd.s32 $0xFFFF0800  }
0x222: {  	[tilespmem:s2], [sflag:$0x1] =	stream.linear.gather [hbm4b:s7+s2], $0x2800, $0x38;
	[tilespmem:$0x1F000] =	vst v63  }
0x223: {  	_ =	swait.ge [sflag:s13], $0xF800  }
0x224: {  	[sflag:s13] =	ssyncset.done $0x0  }
0x225: {  	[sflag:s13] =	ssyncadd.s32 $0xFFFF0800  }
0x226: {  	[hbm4b:s4+s2] =	stream.linear.scatter [tilespmem:s10], [sflag:$0x4], $0xF800, $0x38;
	[tilespmem:$0x1F000] =	vst v63  }
0x227: {  	_ =	swait.ge [sflag:s8], $0x2800  }
0x228: {  	[sflag:s8] =	ssyncset.done $0x0  }
0x229: {  	[sflag:s8] =	ssyncadd.s32 $0xFFFFD800  }
0x22a: {  	[hbm4b:s3+s2] =	stream.linear.scatter [tilespmem:s2], [sflag:$0x3], $0x2800, $0x38;
	[tilespmem:$0x1F000] =	vst v63  }
0x22b: {  	_ =	swait.ge [sflag:s6], $0x2800  }
0x22c: {  	[sflag:s6] =	ssyncset.done $0x0  }
0x22d: {  	[sflag:s6] =	ssyncadd.s32 $0xFFFFD800  }
0x22e: {  	_ =	swait.ge [sflag:s5], $0xF800  }
0x22f: {  	[sflag:s5] =	ssyncset.done $0x0  }
0x230: {  	[sflag:s5] =	ssyncadd.s32 $0xFFFF0800  }
0x231: {  	_ =	sfence.sel $0x180000  }
0x232: {  	[bflag:$0x0] =	sbarrier.arrive $0xFFFF  }
0x233: {  	_ =	strace $0x90000047  }
0x234: {  	s31 =	stileid.u32;
	[bflag:$0x2] =	sbarrier.arrive $0xFFFF  }
0x235: {  	p0 =	sne.s32 s31, $0x0;
	s0 =	rddreg [dreg:$0x2]  }
0x236: {  	s0 =	sadd.s32 @!p0 $0x100000, s0  }
0x237: {  	[sflag:s0] =	ssyncadd.tile.s32 @!p0 $0x1;
	_ =	shalt  }
.Lfunc_end2:
_tile_overlayer_lowered:
.L_overlay_start_2:
0x238: {  	(tag) =	ssettag $0x2  }
0x239: {  	s0 =	rddreg [dreg:$0x0];
	s2 =	stileid.u32  }
0x23a: {  	s1 =	rddreg [dreg:$0x1];
	p0 =	sne.s32 s2, $0x0  }
0x23b: {  	s3 =	rddreg [dreg:$0x2];
	[bflag:$0x3] =	sbarrier.arrive $0xFFFF;
	s2 =	simm.s32 @!p0 $0x1C05  }
0x23c: {  	[timem:s3], [sflag:s2] =	dma.local @!p0 [hbm:s0], s1  }
0x23d: {  	s0 =	simm.s32 @!p0 $0x5  }
0x23e: {  	_ =	swait.ge @!p0 [sflag:s0], s1  }
0x23f: {  	s1 =	ssub.s32 @!p0 $0x0, s1;
	[sflag:s0] =	ssyncset.done @!p0 $0x0  }
0x240: {  	[sflag:s0] =	ssyncadd.s32 @!p0 s1  }
0x241: {  	[bflag:$0x3] =	sbarrier.arrive $0xFFFF  }
0x242: {  	_ =	shalt  }

</sc_bundles>
